<compile_context>
chip_gen: v7x
topology: tpu7x:2x2x1
jax: 0.10.2.dev20260603
libtpu: 0.0.44.dev20260713+nightly
codegen_flags: <defaults>
</compile_context>

<pallas_src>
import functools

import jax
import jax.numpy as jnp
import numpy as np
from jax import lax
from jax.experimental import pallas as pl
from jax.experimental.pallas import tpu as pltpu
from jax.experimental.pallas import tpu_sc as plsc

_NF = 32
_D = 2 * _NF

_KS0 = np.uint32(0)
_KS1 = np.uint32(1)
_KS2 = np.uint32(np.uint32(0) ^ np.uint32(1) ^ np.uint32(0x1BD11BDA))
_ROT_A = (13, 15, 26, 6)
_ROT_B = (17, 29, 16, 24)


def _rotl(x, r):
    return (x << np.uint32(r)) | lax.shift_right_logical(x, np.uint32(32 - r))


def _threefry_bits(flat_u32):
    x0 = jnp.zeros_like(flat_u32) + _KS0
    x1 = flat_u32 + _KS1
    ks = (_KS0, _KS1, _KS2)
    for g in range(5):
        rots = _ROT_A if g % 2 == 0 else _ROT_B
        for r in rots:
            x0 = x0 + x1
            x1 = _rotl(x1, r)
            x1 = x1 ^ x0
        x0 = x0 + ks[(g + 1) % 3]
        x1 = x1 + ks[(g + 2) % 3] + np.uint32(g + 1)
    return x0 ^ x1


def _bits_to_normal(bits):
    fb = lax.bitcast_convert_type(
        lax.shift_right_logical(bits, np.uint32(9)) | np.uint32(0x3F800000),
        jnp.float32,
    ) - np.float32(1.0)
    lo = np.nextafter(np.float32(-1.0), np.float32(0.0), dtype=np.float32)
    u = fb * (np.float32(1.0) - lo) + lo
    u = jnp.maximum(u, lo)
    return np.float32(np.sqrt(2.0)) * lax.erf_inv(u)


def _combine_body(idx_ref, rows_ref, feat_ref, mean_ref, lsig_ref):
    blk = idx_ref.shape[0]
    idx = idx_ref[...].astype(jnp.uint32)
    f = lax.broadcasted_iota(jnp.int32, (blk, _NF), 1).astype(jnp.uint32)
    flat = idx * np.uint32(_NF) + f
    eps = _bits_to_normal(_threefry_bits(flat))
    mean = rows_ref[:, :_NF]
    log_sig = rows_ref[:, _NF:]
    feat_ref[...] = mean + jnp.exp(log_sig * np.float32(0.5)) * eps
    mean_ref[...] = mean
    lsig_ref[...] = log_sig


def _tc_combine(idx2d, rows):
    b = idx2d.shape[0]
    blk = 2048
    out = jax.ShapeDtypeStruct((b, _NF), jnp.float32)
    return pl.pallas_call(
        _combine_body,
        grid=(b // blk,),
        in_specs=[
            pl.BlockSpec((blk, 1), lambda i: (i, 0)),
            pl.BlockSpec((blk, _D), lambda i: (i, 0)),
        ],
        out_specs=[pl.BlockSpec((blk, _NF), lambda i: (i, 0))] * 3,
        out_shape=[out, out, out],
    )(idx2d, rows)


def _sc_gather(idx, table):
    info = plsc.get_sparse_core_info()
    nc, ns = info.num_cores, info.num_subcores
    nw = nc * ns
    b = idx.shape[0]
    b_per_w = b // nw
    unroll = 16
    mesh = plsc.VectorSubcoreMesh(core_axis_name="c", subcore_axis_name="s")

    @functools.partial(
        pl.kernel,
        mesh=mesh,
        out_type=jax.ShapeDtypeStruct((b, _D), jnp.float32),
        scratch_types=[
            pltpu.VMEM((b_per_w,), jnp.int32),
            pltpu.VMEM((b_per_w, _D), jnp.float32),
            pltpu.SemaphoreType.DMA,
            pltpu.SemaphoreType.DMA,
            pltpu.SemaphoreType.DMA,
            pltpu.SemaphoreType.DMA,
        ],
    )
    def k(idx_hbm, table_hbm, out_hbm, idx_v, rows_v, s0, s1, s2, s3):
        sems = (s0, s1, s2, s3)
        wid = lax.axis_index("s") * nc + lax.axis_index("c")
        base = wid * b_per_w
        pltpu.sync_copy(idx_hbm.at[pl.ds(base, b_per_w)], idx_v)
        n_chunks = b_per_w // unroll
        depth = 4

        def chunk(c, _):
            @pl.when(c < n_chunks)
            def _issue():
                j0 = c * unroll
                vec = idx_v[pl.ds(j0, 16)]
                for u in range(unroll):
                    row = lax.squeeze(lax.slice(vec, (u,), (u + 1,)), (0,))
                    pltpu.async_copy(
                        table_hbm.at[pl.ds(row, 1)],
                        rows_v.at[pl.ds(j0 + u, 1)],
                        sems[u % 4],
                    )

            @pl.when(c >= depth)
            def _drain():
                for u in range(unroll):
                    pltpu.make_async_copy(
                        table_hbm.at[pl.ds(0, 1)],
                        rows_v.at[pl.ds(0, 1)],
                        sems[u % 4],
                    ).wait()

            return _

        lax.fori_loop(0, n_chunks + depth, chunk, 0, unroll=False)
        pltpu.sync_copy(rows_v, out_hbm.at[pl.ds(base, b_per_w)])

    return k(idx, table)


def kernel(input, kernel):
    idx = input.astype(jnp.int32)
    rows = _sc_gather(idx, kernel)
    feats, mean, lsig = _tc_combine(idx.reshape(-1, 1), rows)
    return feats, mean, lsig

# --- scband reference (transcript-rebuilt; emitter-appended) ---
"""Pipeline reference for scband-dictionary-layer-2937757630673 (READ-ONLY COPY).

The authoritative reference and input builder live on the scoring server;
editing this copy changes nothing except your own understanding.
"""

import jax, jax.numpy as jnp
import numpy as np

NUM_FEATURES = 32
NUM_KEYS = 1000000
BATCH = 16384


def setup_inputs(seed: int = 0) -> dict:
    key = jax.random.key(seed)
    k1, k2 = jax.random.split(key)
    indices = jax.random.randint(k1, (BATCH,), 0, NUM_KEYS).astype(jnp.int64)
    kernel = jax.random.normal(k2, (NUM_KEYS, NUM_FEATURES * 2), dtype=jnp.float32) * 0.05
    return {"input": indices, "kernel": kernel}


def reference(input, kernel):
    # training=True branch of DictionaryLayer.call
    num_features = NUM_FEATURES
    num_keys = kernel.shape[0]
    eps = jax.random.normal(jax.random.key(1), (num_keys, num_features), dtype=jnp.float32)
    mean = kernel[:, :num_features]
    log_sig = kernel[:, num_features:]
    features = mean + jnp.exp(log_sig / 2.0) * eps
    fetched_features = jnp.take(features, input, axis=0)
    fetched_mean = jnp.take(mean, input, axis=0)
    fetched_log_sig = jnp.take(log_sig, input, axis=0)
    return (fetched_features, fetched_mean, fetched_log_sig)

if __name__ == "__main__":
    import jax
    _d = setup_inputs()
    print(jax.jit(kernel)(*tuple(_d.values())))

</pallas_src>

<mosaic_0001>
#map = affine_map<(d0, d1) -> (0)>
#map1 = affine_map<(d0, d1) -> (0, 0)>
module attributes {stable_mosaic.version = 14 : i64} {
  func.func @k(%arg0: i32, %arg1: i32, %arg2: memref<16384xi32, #tpu.memory_space<hbm>>, %arg3: memref<1000000x64xf32, #tpu.memory_space<hbm>>, %arg4: memref<16384x64xf32, #tpu.memory_space<hbm>>, %arg5: memref<512xi32, #tpu.memory_space<vmem>>, %arg6: memref<512x64xf32, #tpu.memory_space<vmem>>, %arg7: memref<!tpu.dma_semaphore, #tpu.memory_space<semaphore_mem>>, %arg8: memref<!tpu.dma_semaphore, #tpu.memory_space<semaphore_mem>>, %arg9: memref<!tpu.dma_semaphore, #tpu.memory_space<semaphore_mem>>, %arg10: memref<!tpu.dma_semaphore, #tpu.memory_space<semaphore_mem>>) attributes {dimension_semantics = [#tpu.dimension_semantics<core_parallel>, #tpu.dimension_semantics<subcore_parallel>], iteration_bounds = array<i64: 2, 16>, scalar_prefetch = 0 : i64, scratch_operands = 6 : i64, tpu.core_type = #tpu.core_type<sc_vector_subcore>, window_params = [{transform_indices = #map}, {transform_indices = #map1}, {transform_indices = #map1}]} {
    %mul3A = arith.constant 2 : i32
    %mul3A_0 = arith.muli %arg1, %mul3A : i32
    %add3A = arith.addi %mul3A_0, %arg0 : i32
    %mul3A_1 = arith.constant 512 : i32
    %mul3A_2 = arith.muli %add3A, %mul3A_1 : i32
    "tpu.region"() ({
      %run_scoped3A = tpu.sem_alloc : memref<!tpu.dma_semaphore, #tpu.memory_space<semaphore_mem>>
      %dma_start3A = tpu.memref_slice %arg2[%mul3A_2] : memref<16384xi32, #tpu.memory_space<hbm>> -> memref<512xi32, #tpu.memory_space<hbm>>
      %dma_start3A_8 = tpu.memref_slice %arg2[%mul3A_2] : memref<16384xi32, #tpu.memory_space<hbm>> -> memref<512xi32, #tpu.memory_space<hbm>>
      tpu.enqueue_dma source(%dma_start3A_8 : memref<512xi32, #tpu.memory_space<hbm>>) target(%arg5 : memref<512xi32, #tpu.memory_space<vmem>>) target_semaphore(%run_scoped3A : memref<!tpu.dma_semaphore, #tpu.memory_space<semaphore_mem>>)
      %dma_wait3A = tpu.memref_slice %arg2[%mul3A_2] : memref<16384xi32, #tpu.memory_space<hbm>> -> memref<512xi32, #tpu.memory_space<hbm>>
      %dma_wait3A_9 = tpu.memref_slice %arg2[%mul3A_2] : memref<16384xi32, #tpu.memory_space<hbm>> -> memref<512xi32, #tpu.memory_space<hbm>>
      tpu.wait_dma2 semaphore(%run_scoped3A : memref<!tpu.dma_semaphore, #tpu.memory_space<semaphore_mem>>) src(%dma_wait3A_9 : memref<512xi32, #tpu.memory_space<hbm>>) dst(%arg5 : memref<512xi32, #tpu.memory_space<vmem>>)
      tpu.yield
    }) : () -> ()
    %scan3A = arith.constant 0 : i32
    %scan3A_3 = arith.constant 0 : i32
    %scan3A_4 = arith.constant 36 : i32
    %scan3A_5 = arith.addi %scan3A_3, %scan3A_4 : i32
    %scan3A_6 = arith.constant 1 : i32
    scf.for %scan3A_8 = %scan3A_3 to %scan3A_5 step %scan3A_6  : i32 {
      %lt3A = arith.constant 32 : i32
      %lt3A_9 = arith.cmpi slt, %scan3A_8, %lt3A : i32
      %convert_element_type3A = arith.extui %lt3A_9 : i1 to i32
      %cond3A = arith.constant 0 : i32
      %cond3A_10 = arith.cmpi ne, %convert_element_type3A, %cond3A : i32
      scf.if %cond3A_10 {
        %mul3A_15 = arith.constant 16 : i32
        %mul3A_16 = arith.muli %scan3A_8, %mul3A_15 : i32
        %get3A = arith.index_cast %mul3A_16 : i32 to index
        %get3A_17 = tpu.vector_load %arg5[%get3A] {strides = array<i32>} : memref<512xi32, #tpu.memory_space<vmem>>, vector<16xi32>,
        %get3A_18 = vector.shape_cast %get3A_17 : vector<16xi32> to vector<16xi32>
        %slice3A = vector.extract_strided_slice %get3A_18 {offsets = [0], sizes = [1], strides = [1]} : vector<16xi32> to vector<1xi32>
        %squeeze3A = vector.extract %slice3A[0] : i32 from vector<1xi32>
        %add3A_19 = arith.constant 0 : i32
        %add3A_20 = arith.addi %mul3A_16, %add3A_19 : i32
        %dma_start3A = arith.constant 0 : i32
        %dma_start3A_21 = tpu.memref_slice %arg6[%add3A_20, %dma_start3A] : memref<512x64xf32, #tpu.memory_space<vmem>> -> memref<1x64xf32, #tpu.memory_space<vmem>>
        %dma_start3A_22 = arith.constant 0 : i32
        %dma_start3A_23 = tpu.memref_slice %arg3[%squeeze3A, %dma_start3A_22] : memref<1000000x64xf32, #tpu.memory_space<hbm>> -> memref<1x64xf32, #tpu.memory_space<hbm>>
        %dma_start3A_24 = arith.constant 0 : i32
        %dma_start3A_25 = tpu.memref_slice %arg6[%add3A_20, %dma_start3A_24] : memref<512x64xf32, #tpu.memory_space<vmem>> -> memref<1x64xf32, #tpu.memory_space<vmem>>
        %dma_start3A_26 = arith.constant 0 : i32
        %dma_start3A_27 = tpu.memref_slice %arg3[%squeeze3A, %dma_start3A_26] : memref<1000000x64xf32, #tpu.memory_space<hbm>> -> memref<1x64xf32, #tpu.memory_space<hbm>>
        tpu.enqueue_dma source(%dma_start3A_27 : memref<1x64xf32, #tpu.memory_space<hbm>>) target(%dma_start3A_25 : memref<1x64xf32, #tpu.memory_space<vmem>>) target_semaphore(%arg7 : memref<!tpu.dma_semaphore, #tpu.memory_space<semaphore_mem>>)
        %slice3A_28 = vector.extract_strided_slice %get3A_18 {offsets = [1], sizes = [1], strides = [1]} : vector<16xi32> to vector<1xi32>
        %squeeze3A_29 = vector.extract %slice3A_28[0] : i32 from vector<1xi32>
        %add3A_30 = arith.constant 1 : i32
        %add3A_31 = arith.addi %mul3A_16, %add3A_30 : i32
        %dma_start3A_32 = arith.constant 0 : i32
        %dma_start3A_33 = tpu.memref_slice %arg6[%add3A_31, %dma_start3A_32] : memref<512x64xf32, #tpu.memory_space<vmem>> -> memref<1x64xf32, #tpu.memory_space<vmem>>
        %dma_start3A_34 = arith.constant 0 : i32
        %dma_start3A_35 = tpu.memref_slice %arg3[%squeeze3A_29, %dma_start3A_34] : memref<1000000x64xf32, #tpu.memory_space<hbm>> -> memref<1x64xf32, #tpu.memory_space<hbm>>
        %dma_start3A_36 = arith.constant 0 : i32
        %dma_start3A_37 = tpu.memref_slice %arg6[%add3A_31, %dma_start3A_36] : memref<512x64xf32, #tpu.memory_space<vmem>> -> memref<1x64xf32, #tpu.memory_space<vmem>>
        %dma_start3A_38 = arith.constant 0 : i32
        %dma_start3A_39 = tpu.memref_slice %arg3[%squeeze3A_29, %dma_start3A_38] : memref<1000000x64xf32, #tpu.memory_space<hbm>> -> memref<1x64xf32, #tpu.memory_space<hbm>>
        tpu.enqueue_dma source(%dma_start3A_39 : memref<1x64xf32, #tpu.memory_space<hbm>>) target(%dma_start3A_37 : memref<1x64xf32, #tpu.memory_space<vmem>>) target_semaphore(%arg8 : memref<!tpu.dma_semaphore, #tpu.memory_space<semaphore_mem>>)
        %slice3A_40 = vector.extract_strided_slice %get3A_18 {offsets = [2], sizes = [1], strides = [1]} : vector<16xi32> to vector<1xi32>
        %squeeze3A_41 = vector.extract %slice3A_40[0] : i32 from vector<1xi32>
        %add3A_42 = arith.constant 2 : i32
        %add3A_43 = arith.addi %mul3A_16, %add3A_42 : i32
        %dma_start3A_44 = arith.constant 0 : i32
        %dma_start3A_45 = tpu.memref_slice %arg6[%add3A_43, %dma_start3A_44] : memref<512x64xf32, #tpu.memory_space<vmem>> -> memref<1x64xf32, #tpu.memory_space<vmem>>
        %dma_start3A_46 = arith.constant 0 : i32
        %dma_start3A_47 = tpu.memref_slice %arg3[%squeeze3A_41, %dma_start3A_46] : memref<1000000x64xf32, #tpu.memory_space<hbm>> -> memref<1x64xf32, #tpu.memory_space<hbm>>
        %dma_start3A_48 = arith.constant 0 : i32
        %dma_start3A_49 = tpu.memref_slice %arg6[%add3A_43, %dma_start3A_48] : memref<512x64xf32, #tpu.memory_space<vmem>> -> memref<1x64xf32, #tpu.memory_space<vmem>>
        %dma_start3A_50 = arith.constant 0 : i32
        %dma_start3A_51 = tpu.memref_slice %arg3[%squeeze3A_41, %dma_start3A_50] : memref<1000000x64xf32, #tpu.memory_space<hbm>> -> memref<1x64xf32, #tpu.memory_space<hbm>>
        tpu.enqueue_dma source(%dma_start3A_51 : memref<1x64xf32, #tpu.memory_space<hbm>>) target(%dma_start3A_49 : memref<1x64xf32, #tpu.memory_space<vmem>>) target_semaphore(%arg9 : memref<!tpu.dma_semaphore, #tpu.memory_space<semaphore_mem>>)
        %slice3A_52 = vector.extract_strided_slice %get3A_18 {offsets = [3], sizes = [1], strides = [1]} : vector<16xi32> to vector<1xi32>
        %squeeze3A_53 = vector.extract %slice3A_52[0] : i32 from vector<1xi32>
        %add3A_54 = arith.constant 3 : i32
        %add3A_55 = arith.addi %mul3A_16, %add3A_54 : i32
        %dma_start3A_56 = arith.constant 0 : i32
        %dma_start3A_57 = tpu.memref_slice %arg6[%add3A_55, %dma_start3A_56] : memref<512x64xf32, #tpu.memory_space<vmem>> -> memref<1x64xf32, #tpu.memory_space<vmem>>
        %dma_start3A_58 = arith.constant 0 : i32
        %dma_start3A_59 = tpu.memref_slice %arg3[%squeeze3A_53, %dma_start3A_58] : memref<1000000x64xf32, #tpu.memory_space<hbm>> -> memref<1x64xf32, #tpu.memory_space<hbm>>
        %dma_start3A_60 = arith.constant 0 : i32
        %dma_start3A_61 = tpu.memref_slice %arg6[%add3A_55, %dma_start3A_60] : memref<512x64xf32, #tpu.memory_space<vmem>> -> memref<1x64xf32, #tpu.memory_space<vmem>>
        %dma_start3A_62 = arith.constant 0 : i32
        %dma_start3A_63 = tpu.memref_slice %arg3[%squeeze3A_53, %dma_start3A_62] : memref<1000000x64xf32, #tpu.memory_space<hbm>> -> memref<1x64xf32, #tpu.memory_space<hbm>>
        tpu.enqueue_dma source(%dma_start3A_63 : memref<1x64xf32, #tpu.memory_space<hbm>>) target(%dma_start3A_61 : memref<1x64xf32, #tpu.memory_space<vmem>>) target_semaphore(%arg10 : memref<!tpu.dma_semaphore, #tpu.memory_space<semaphore_mem>>)
        %slice3A_64 = vector.extract_strided_slice %get3A_18 {offsets = [4], sizes = [1], strides = [1]} : vector<16xi32> to vector<1xi32>
        %squeeze3A_65 = vector.extract %slice3A_64[0] : i32 from vector<1xi32>
        %add3A_66 = arith.constant 4 : i32
        %add3A_67 = arith.addi %mul3A_16, %add3A_66 : i32
        %dma_start3A_68 = arith.constant 0 : i32
        %dma_start3A_69 = tpu.memref_slice %arg6[%add3A_67, %dma_start3A_68] : memref<512x64xf32, #tpu.memory_space<vmem>> -> memref<1x64xf32, #tpu.memory_space<vmem>>
        %dma_start3A_70 = arith.constant 0 : i32
        %dma_start3A_71 = tpu.memref_slice %arg3[%squeeze3A_65, %dma_start3A_70] : memref<1000000x64xf32, #tpu.memory_space<hbm>> -> memref<1x64xf32, #tpu.memory_space<hbm>>
        %dma_start3A_72 = arith.constant 0 : i32
        %dma_start3A_73 = tpu.memref_slice %arg6[%add3A_67, %dma_start3A_72] : memref<512x64xf32, #tpu.memory_space<vmem>> -> memref<1x64xf32, #tpu.memory_space<vmem>>
        %dma_start3A_74 = arith.constant 0 : i32
        %dma_start3A_75 = tpu.memref_slice %arg3[%squeeze3A_65, %dma_start3A_74] : memref<1000000x64xf32, #tpu.memory_space<hbm>> -> memref<1x64xf32, #tpu.memory_space<hbm>>
        tpu.enqueue_dma source(%dma_start3A_75 : memref<1x64xf32, #tpu.memory_space<hbm>>) target(%dma_start3A_73 : memref<1x64xf32, #tpu.memory_space<vmem>>) target_semaphore(%arg7 : memref<!tpu.dma_semaphore, #tpu.memory_space<semaphore_mem>>)
        %slice3A_76 = vector.extract_strided_slice %get3A_18 {offsets = [5], sizes = [1], strides = [1]} : vector<16xi32> to vector<1xi32>
        %squeeze3A_77 = vector.extract %slice3A_76[0] : i32 from vector<1xi32>
        %add3A_78 = arith.constant 5 : i32
        %add3A_79 = arith.addi %mul3A_16, %add3A_78 : i32
        %dma_start3A_80 = arith.constant 0 : i32
        %dma_start3A_81 = tpu.memref_slice %arg6[%add3A_79, %dma_start3A_80] : memref<512x64xf32, #tpu.memory_space<vmem>> -> memref<1x64xf32, #tpu.memory_space<vmem>>
        %dma_start3A_82 = arith.constant 0 : i32
        %dma_start3A_83 = tpu.memref_slice %arg3[%squeeze3A_77, %dma_start3A_82] : memref<1000000x64xf32, #tpu.memory_space<hbm>> -> memref<1x64xf32, #tpu.memory_space<hbm>>
        %dma_start3A_84 = arith.constant 0 : i32
        %dma_start3A_85 = tpu.memref_slice %arg6[%add3A_79, %dma_start3A_84] : memref<512x64xf32, #tpu.memory_space<vmem>> -> memref<1x64xf32, #tpu.memory_space<vmem>>
        %dma_start3A_86 = arith.constant 0 : i32
        %dma_start3A_87 = tpu.memref_slice %arg3[%squeeze3A_77, %dma_start3A_86] : memref<1000000x64xf32, #tpu.memory_space<hbm>> -> memref<1x64xf32, #tpu.memory_space<hbm>>
        tpu.enqueue_dma source(%dma_start3A_87 : memref<1x64xf32, #tpu.memory_space<hbm>>) target(%dma_start3A_85 : memref<1x64xf32, #tpu.memory_space<vmem>>) target_semaphore(%arg8 : memref<!tpu.dma_semaphore, #tpu.memory_space<semaphore_mem>>)
        %slice3A_88 = vector.extract_strided_slice %get3A_18 {offsets = [6], sizes = [1], strides = [1]} : vector<16xi32> to vector<1xi32>
        %squeeze3A_89 = vector.extract %slice3A_88[0] : i32 from vector<1xi32>
        %add3A_90 = arith.constant 6 : i32
        %add3A_91 = arith.addi %mul3A_16, %add3A_90 : i32
        %dma_start3A_92 = arith.constant 0 : i32
        %dma_start3A_93 = tpu.memref_slice %arg6[%add3A_91, %dma_start3A_92] : memref<512x64xf32, #tpu.memory_space<vmem>> -> memref<1x64xf32, #tpu.memory_space<vmem>>
        %dma_start3A_94 = arith.constant 0 : i32
        %dma_start3A_95 = tpu.memref_slice %arg3[%squeeze3A_89, %dma_start3A_94] : memref<1000000x64xf32, #tpu.memory_space<hbm>> -> memref<1x64xf32, #tpu.memory_space<hbm>>
        %dma_start3A_96 = arith.constant 0 : i32
        %dma_start3A_97 = tpu.memref_slice %arg6[%add3A_91, %dma_start3A_96] : memref<512x64xf32, #tpu.memory_space<vmem>> -> memref<1x64xf32, #tpu.memory_space<vmem>>
        %dma_start3A_98 = arith.constant 0 : i32
        %dma_start3A_99 = tpu.memref_slice %arg3[%squeeze3A_89, %dma_start3A_98] : memref<1000000x64xf32, #tpu.memory_space<hbm>> -> memref<1x64xf32, #tpu.memory_space<hbm>>
        tpu.enqueue_dma source(%dma_start3A_99 : memref<1x64xf32, #tpu.memory_space<hbm>>) target(%dma_start3A_97 : memref<1x64xf32, #tpu.memory_space<vmem>>) target_semaphore(%arg9 : memref<!tpu.dma_semaphore, #tpu.memory_space<semaphore_mem>>)
        %slice3A_100 = vector.extract_strided_slice %get3A_18 {offsets = [7], sizes = [1], strides = [1]} : vector<16xi32> to vector<1xi32>
        %squeeze3A_101 = vector.extract %slice3A_100[0] : i32 from vector<1xi32>
        %add3A_102 = arith.constant 7 : i32
        %add3A_103 = arith.addi %mul3A_16, %add3A_102 : i32
        %dma_start3A_104 = arith.constant 0 : i32
        %dma_start3A_105 = tpu.memref_slice %arg6[%add3A_103, %dma_start3A_104] : memref<512x64xf32, #tpu.memory_space<vmem>> -> memref<1x64xf32, #tpu.memory_space<vmem>>
        %dma_start3A_106 = arith.constant 0 : i32
        %dma_start3A_107 = tpu.memref_slice %arg3[%squeeze3A_101, %dma_start3A_106] : memref<1000000x64xf32, #tpu.memory_space<hbm>> -> memref<1x64xf32, #tpu.memory_space<hbm>>
        %dma_start3A_108 = arith.constant 0 : i32
        %dma_start3A_109 = tpu.memref_slice %arg6[%add3A_103, %dma_start3A_108] : memref<512x64xf32, #tpu.memory_space<vmem>> -> memref<1x64xf32, #tpu.memory_space<vmem>>
        %dma_start3A_110 = arith.constant 0 : i32
        %dma_start3A_111 = tpu.memref_slice %arg3[%squeeze3A_101, %dma_start3A_110] : memref<1000000x64xf32, #tpu.memory_space<hbm>> -> memref<1x64xf32, #tpu.memory_space<hbm>>
        tpu.enqueue_dma source(%dma_start3A_111 : memref<1x64xf32, #tpu.memory_space<hbm>>) target(%dma_start3A_109 : memref<1x64xf32, #tpu.memory_space<vmem>>) target_semaphore(%arg10 : memref<!tpu.dma_semaphore, #tpu.memory_space<semaphore_mem>>)
        %slice3A_112 = vector.extract_strided_slice %get3A_18 {offsets = [8], sizes = [1], strides = [1]} : vector<16xi32> to vector<1xi32>
        %squeeze3A_113 = vector.extract %slice3A_112[0] : i32 from vector<1xi32>
        %add3A_114 = arith.constant 8 : i32
        %add3A_115 = arith.addi %mul3A_16, %add3A_114 : i32
        %dma_start3A_116 = arith.constant 0 : i32
        %dma_start3A_117 = tpu.memref_slice %arg6[%add3A_115, %dma_start3A_116] : memref<512x64xf32, #tpu.memory_space<vmem>> -> memref<1x64xf32, #tpu.memory_space<vmem>>
        %dma_start3A_118 = arith.constant 0 : i32
        %dma_start3A_119 = tpu.memref_slice %arg3[%squeeze3A_113, %dma_start3A_118] : memref<1000000x64xf32, #tpu.memory_space<hbm>> -> memref<1x64xf32, #tpu.memory_space<hbm>>
        %dma_start3A_120 = arith.constant 0 : i32
        %dma_start3A_121 = tpu.memref_slice %arg6[%add3A_115, %dma_start3A_120] : memref<512x64xf32, #tpu.memory_space<vmem>> -> memref<1x64xf32, #tpu.memory_space<vmem>>
        %dma_start3A_122 = arith.constant 0 : i32
        %dma_start3A_123 = tpu.memref_slice %arg3[%squeeze3A_113, %dma_start3A_122] : memref<1000000x64xf32, #tpu.memory_space<hbm>> -> memref<1x64xf32, #tpu.memory_space<hbm>>
        tpu.enqueue_dma source(%dma_start3A_123 : memref<1x64xf32, #tpu.memory_space<hbm>>) target(%dma_start3A_121 : memref<1x64xf32, #tpu.memory_space<vmem>>) target_semaphore(%arg7 : memref<!tpu.dma_semaphore, #tpu.memory_space<semaphore_mem>>)
        %slice3A_124 = vector.extract_strided_slice %get3A_18 {offsets = [9], sizes = [1], strides = [1]} : vector<16xi32> to vector<1xi32>
        %squeeze3A_125 = vector.extract %slice3A_124[0] : i32 from vector<1xi32>
        %add3A_126 = arith.constant 9 : i32
        %add3A_127 = arith.addi %mul3A_16, %add3A_126 : i32
        %dma_start3A_128 = arith.constant 0 : i32
        %dma_start3A_129 = tpu.memref_slice %arg6[%add3A_127, %dma_start3A_128] : memref<512x64xf32, #tpu.memory_space<vmem>> -> memref<1x64xf32, #tpu.memory_space<vmem>>
        %dma_start3A_130 = arith.constant 0 : i32
        %dma_start3A_131 = tpu.memref_slice %arg3[%squeeze3A_125, %dma_start3A_130] : memref<1000000x64xf32, #tpu.memory_space<hbm>> -> memref<1x64xf32, #tpu.memory_space<hbm>>
        %dma_start3A_132 = arith.constant 0 : i32
        %dma_start3A_133 = tpu.memref_slice %arg6[%add3A_127, %dma_start3A_132] : memref<512x64xf32, #tpu.memory_space<vmem>> -> memref<1x64xf32, #tpu.memory_space<vmem>>
        %dma_start3A_134 = arith.constant 0 : i32
        %dma_start3A_135 = tpu.memref_slice %arg3[%squeeze3A_125, %dma_start3A_134] : memref<1000000x64xf32, #tpu.memory_space<hbm>> -> memref<1x64xf32, #tpu.memory_space<hbm>>
        tpu.enqueue_dma source(%dma_start3A_135 : memref<1x64xf32, #tpu.memory_space<hbm>>) target(%dma_start3A_133 : memref<1x64xf32, #tpu.memory_space<vmem>>) target_semaphore(%arg8 : memref<!tpu.dma_semaphore, #tpu.memory_space<semaphore_mem>>)
        %slice3A_136 = vector.extract_strided_slice %get3A_18 {offsets = [10], sizes = [1], strides = [1]} : vector<16xi32> to vector<1xi32>
        %squeeze3A_137 = vector.extract %slice3A_136[0] : i32 from vector<1xi32>
        %add3A_138 = arith.constant 10 : i32
        %add3A_139 = arith.addi %mul3A_16, %add3A_138 : i32
        %dma_start3A_140 = arith.constant 0 : i32
        %dma_start3A_141 = tpu.memref_slice %arg6[%add3A_139, %dma_start3A_140] : memref<512x64xf32, #tpu.memory_space<vmem>> -> memref<1x64xf32, #tpu.memory_space<vmem>>
        %dma_start3A_142 = arith.constant 0 : i32
        %dma_start3A_143 = tpu.memref_slice %arg3[%squeeze3A_137, %dma_start3A_142] : memref<1000000x64xf32, #tpu.memory_space<hbm>> -> memref<1x64xf32, #tpu.memory_space<hbm>>
        %dma_start3A_144 = arith.constant 0 : i32
        %dma_start3A_145 = tpu.memref_slice %arg6[%add3A_139, %dma_start3A_144] : memref<512x64xf32, #tpu.memory_space<vmem>> -> memref<1x64xf32, #tpu.memory_space<vmem>>
        %dma_start3A_146 = arith.constant 0 : i32
        %dma_start3A_147 = tpu.memref_slice %arg3[%squeeze3A_137, %dma_start3A_146] : memref<1000000x64xf32, #tpu.memory_space<hbm>> -> memref<1x64xf32, #tpu.memory_space<hbm>>
        tpu.enqueue_dma source(%dma_start3A_147 : memref<1x64xf32, #tpu.memory_space<hbm>>) target(%dma_start3A_145 : memref<1x64xf32, #tpu.memory_space<vmem>>) target_semaphore(%arg9 : memref<!tpu.dma_semaphore, #tpu.memory_space<semaphore_mem>>)
        %slice3A_148 = vector.extract_strided_slice %get3A_18 {offsets = [11], sizes = [1], strides = [1]} : vector<16xi32> to vector<1xi32>
        %squeeze3A_149 = vector.extract %slice3A_148[0] : i32 from vector<1xi32>
        %add3A_150 = arith.constant 11 : i32
        %add3A_151 = arith.addi %mul3A_16, %add3A_150 : i32
        %dma_start3A_152 = arith.constant 0 : i32
        %dma_start3A_153 = tpu.memref_slice %arg6[%add3A_151, %dma_start3A_152] : memref<512x64xf32, #tpu.memory_space<vmem>> -> memref<1x64xf32, #tpu.memory_space<vmem>>
        %dma_start3A_154 = arith.constant 0 : i32
        %dma_start3A_155 = tpu.memref_slice %arg3[%squeeze3A_149, %dma_start3A_154] : memref<1000000x64xf32, #tpu.memory_space<hbm>> -> memref<1x64xf32, #tpu.memory_space<hbm>>
        %dma_start3A_156 = arith.constant 0 : i32
        %dma_start3A_157 = tpu.memref_slice %arg6[%add3A_151, %dma_start3A_156] : memref<512x64xf32, #tpu.memory_space<vmem>> -> memref<1x64xf32, #tpu.memory_space<vmem>>
        %dma_start3A_158 = arith.constant 0 : i32
        %dma_start3A_159 = tpu.memref_slice %arg3[%squeeze3A_149, %dma_start3A_158] : memref<1000000x64xf32, #tpu.memory_space<hbm>> -> memref<1x64xf32, #tpu.memory_space<hbm>>
        tpu.enqueue_dma source(%dma_start3A_159 : memref<1x64xf32, #tpu.memory_space<hbm>>) target(%dma_start3A_157 : memref<1x64xf32, #tpu.memory_space<vmem>>) target_semaphore(%arg10 : memref<!tpu.dma_semaphore, #tpu.memory_space<semaphore_mem>>)
        %slice3A_160 = vector.extract_strided_slice %get3A_18 {offsets = [12], sizes = [1], strides = [1]} : vector<16xi32> to vector<1xi32>
        %squeeze3A_161 = vector.extract %slice3A_160[0] : i32 from vector<1xi32>
        %add3A_162 = arith.constant 12 : i32
        %add3A_163 = arith.addi %mul3A_16, %add3A_162 : i32
        %dma_start3A_164 = arith.constant 0 : i32
        %dma_start3A_165 = tpu.memref_slice %arg6[%add3A_163, %dma_start3A_164] : memref<512x64xf32, #tpu.memory_space<vmem>> -> memref<1x64xf32, #tpu.memory_space<vmem>>
        %dma_start3A_166 = arith.constant 0 : i32
        %dma_start3A_167 = tpu.memref_slice %arg3[%squeeze3A_161, %dma_start3A_166] : memref<1000000x64xf32, #tpu.memory_space<hbm>> -> memref<1x64xf32, #tpu.memory_space<hbm>>
        %dma_start3A_168 = arith.constant 0 : i32
        %dma_start3A_169 = tpu.memref_slice %arg6[%add3A_163, %dma_start3A_168] : memref<512x64xf32, #tpu.memory_space<vmem>> -> memref<1x64xf32, #tpu.memory_space<vmem>>
        %dma_start3A_170 = arith.constant 0 : i32
        %dma_start3A_171 = tpu.memref_slice %arg3[%squeeze3A_161, %dma_start3A_170] : memref<1000000x64xf32, #tpu.memory_space<hbm>> -> memref<1x64xf32, #tpu.memory_space<hbm>>
        tpu.enqueue_dma source(%dma_start3A_171 : memref<1x64xf32, #tpu.memory_space<hbm>>) target(%dma_start3A_169 : memref<1x64xf32, #tpu.memory_space<vmem>>) target_semaphore(%arg7 : memref<!tpu.dma_semaphore, #tpu.memory_space<semaphore_mem>>)
        %slice3A_172 = vector.extract_strided_slice %get3A_18 {offsets = [13], sizes = [1], strides = [1]} : vector<16xi32> to vector<1xi32>
        %squeeze3A_173 = vector.extract %slice3A_172[0] : i32 from vector<1xi32>
        %add3A_174 = arith.constant 13 : i32
        %add3A_175 = arith.addi %mul3A_16, %add3A_174 : i32
        %dma_start3A_176 = arith.constant 0 : i32
        %dma_start3A_177 = tpu.memref_slice %arg6[%add3A_175, %dma_start3A_176] : memref<512x64xf32, #tpu.memory_space<vmem>> -> memref<1x64xf32, #tpu.memory_space<vmem>>
        %dma_start3A_178 = arith.constant 0 : i32
        %dma_start3A_179 = tpu.memref_slice %arg3[%squeeze3A_173, %dma_start3A_178] : memref<1000000x64xf32, #tpu.memory_space<hbm>> -> memref<1x64xf32, #tpu.memory_space<hbm>>
        %dma_start3A_180 = arith.constant 0 : i32
        %dma_start3A_181 = tpu.memref_slice %arg6[%add3A_175, %dma_start3A_180] : memref<512x64xf32, #tpu.memory_space<vmem>> -> memref<1x64xf32, #tpu.memory_space<vmem>>
        %dma_start3A_182 = arith.constant 0 : i32
        %dma_start3A_183 = tpu.memref_slice %arg3[%squeeze3A_173, %dma_start3A_182] : memref<1000000x64xf32, #tpu.memory_space<hbm>> -> memref<1x64xf32, #tpu.memory_space<hbm>>
        tpu.enqueue_dma source(%dma_start3A_183 : memref<1x64xf32, #tpu.memory_space<hbm>>) target(%dma_start3A_181 : memref<1x64xf32, #tpu.memory_space<vmem>>) target_semaphore(%arg8 : memref<!tpu.dma_semaphore, #tpu.memory_space<semaphore_mem>>)
        %slice3A_184 = vector.extract_strided_slice %get3A_18 {offsets = [14], sizes = [1], strides = [1]} : vector<16xi32> to vector<1xi32>
        %squeeze3A_185 = vector.extract %slice3A_184[0] : i32 from vector<1xi32>
        %add3A_186 = arith.constant 14 : i32
        %add3A_187 = arith.addi %mul3A_16, %add3A_186 : i32
        %dma_start3A_188 = arith.constant 0 : i32
        %dma_start3A_189 = tpu.memref_slice %arg6[%add3A_187, %dma_start3A_188] : memref<512x64xf32, #tpu.memory_space<vmem>> -> memref<1x64xf32, #tpu.memory_space<vmem>>
        %dma_start3A_190 = arith.constant 0 : i32
        %dma_start3A_191 = tpu.memref_slice %arg3[%squeeze3A_185, %dma_start3A_190] : memref<1000000x64xf32, #tpu.memory_space<hbm>> -> memref<1x64xf32, #tpu.memory_space<hbm>>
        %dma_start3A_192 = arith.constant 0 : i32
        %dma_start3A_193 = tpu.memref_slice %arg6[%add3A_187, %dma_start3A_192] : memref<512x64xf32, #tpu.memory_space<vmem>> -> memref<1x64xf32, #tpu.memory_space<vmem>>
        %dma_start3A_194 = arith.constant 0 : i32
        %dma_start3A_195 = tpu.memref_slice %arg3[%squeeze3A_185, %dma_start3A_194] : memref<1000000x64xf32, #tpu.memory_space<hbm>> -> memref<1x64xf32, #tpu.memory_space<hbm>>
        tpu.enqueue_dma source(%dma_start3A_195 : memref<1x64xf32, #tpu.memory_space<hbm>>) target(%dma_start3A_193 : memref<1x64xf32, #tpu.memory_space<vmem>>) target_semaphore(%arg9 : memref<!tpu.dma_semaphore, #tpu.memory_space<semaphore_mem>>)
        %slice3A_196 = vector.extract_strided_slice %get3A_18 {offsets = [15], sizes = [1], strides = [1]} : vector<16xi32> to vector<1xi32>
        %squeeze3A_197 = vector.extract %slice3A_196[0] : i32 from vector<1xi32>
        %add3A_198 = arith.constant 15 : i32
        %add3A_199 = arith.addi %mul3A_16, %add3A_198 : i32
        %dma_start3A_200 = arith.constant 0 : i32
        %dma_start3A_201 = tpu.memref_slice %arg6[%add3A_199, %dma_start3A_200] : memref<512x64xf32, #tpu.memory_space<vmem>> -> memref<1x64xf32, #tpu.memory_space<vmem>>
        %dma_start3A_202 = arith.constant 0 : i32
        %dma_start3A_203 = tpu.memref_slice %arg3[%squeeze3A_197, %dma_start3A_202] : memref<1000000x64xf32, #tpu.memory_space<hbm>> -> memref<1x64xf32, #tpu.memory_space<hbm>>
        %dma_start3A_204 = arith.constant 0 : i32
        %dma_start3A_205 = tpu.memref_slice %arg6[%add3A_199, %dma_start3A_204] : memref<512x64xf32, #tpu.memory_space<vmem>> -> memref<1x64xf32, #tpu.memory_space<vmem>>
        %dma_start3A_206 = arith.constant 0 : i32
        %dma_start3A_207 = tpu.memref_slice %arg3[%squeeze3A_197, %dma_start3A_206] : memref<1000000x64xf32, #tpu.memory_space<hbm>> -> memref<1x64xf32, #tpu.memory_space<hbm>>
        tpu.enqueue_dma source(%dma_start3A_207 : memref<1x64xf32, #tpu.memory_space<hbm>>) target(%dma_start3A_205 : memref<1x64xf32, #tpu.memory_space<vmem>>) target_semaphore(%arg10 : memref<!tpu.dma_semaphore, #tpu.memory_space<semaphore_mem>>)
      } else {
      }
      %ge3A = arith.constant 4 : i32
      %ge3A_11 = arith.cmpi sge, %scan3A_8, %ge3A : i32
      %convert_element_type3A_12 = arith.extui %ge3A_11 : i1 to i32
      %cond3A_13 = arith.constant 0 : i32
      %cond3A_14 = arith.cmpi ne, %convert_element_type3A_12, %cond3A_13 : i32
      scf.if %cond3A_14 {
        %dma_wait3A = arith.constant 0 : i32
        %dma_wait3A_15 = arith.constant 0 : i32
        %dma_wait3A_16 = tpu.memref_slice %arg6[%dma_wait3A, %dma_wait3A_15] : memref<512x64xf32, #tpu.memory_space<vmem>> -> memref<1x64xf32, #tpu.memory_space<vmem>>
        %dma_wait3A_17 = arith.constant 0 : i32
        %dma_wait3A_18 = arith.constant 0 : i32
        %dma_wait3A_19 = tpu.memref_slice %arg3[%dma_wait3A_17, %dma_wait3A_18] : memref<1000000x64xf32, #tpu.memory_space<hbm>> -> memref<1x64xf32, #tpu.memory_space<hbm>>
        %dma_wait3A_20 = arith.constant 0 : i32
        %dma_wait3A_21 = arith.constant 0 : i32
        %dma_wait3A_22 = tpu.memref_slice %arg6[%dma_wait3A_20, %dma_wait3A_21] : memref<512x64xf32, #tpu.memory_space<vmem>> -> memref<1x64xf32, #tpu.memory_space<vmem>>
        %dma_wait3A_23 = arith.constant 0 : i32
        %dma_wait3A_24 = arith.constant 0 : i32
        %dma_wait3A_25 = tpu.memref_slice %arg3[%dma_wait3A_23, %dma_wait3A_24] : memref<1000000x64xf32, #tpu.memory_space<hbm>> -> memref<1x64xf32, #tpu.memory_space<hbm>>
        tpu.wait_dma2 semaphore(%arg7 : memref<!tpu.dma_semaphore, #tpu.memory_space<semaphore_mem>>) src(%dma_wait3A_25 : memref<1x64xf32, #tpu.memory_space<hbm>>) dst(%dma_wait3A_22 : memref<1x64xf32, #tpu.memory_space<vmem>>)
        %dma_wait3A_26 = arith.constant 0 : i32
        %dma_wait3A_27 = arith.constant 0 : i32
        %dma_wait3A_28 = tpu.memref_slice %arg6[%dma_wait3A_26, %dma_wait3A_27] : memref<512x64xf32, #tpu.memory_space<vmem>> -> memref<1x64xf32, #tpu.memory_space<vmem>>
        %dma_wait3A_29 = arith.constant 0 : i32
        %dma_wait3A_30 = arith.constant 0 : i32
        %dma_wait3A_31 = tpu.memref_slice %arg3[%dma_wait3A_29, %dma_wait3A_30] : memref<1000000x64xf32, #tpu.memory_space<hbm>> -> memref<1x64xf32, #tpu.memory_space<hbm>>
        %dma_wait3A_32 = arith.constant 0 : i32
        %dma_wait3A_33 = arith.constant 0 : i32
        %dma_wait3A_34 = tpu.memref_slice %arg6[%dma_wait3A_32, %dma_wait3A_33] : memref<512x64xf32, #tpu.memory_space<vmem>> -> memref<1x64xf32, #tpu.memory_space<vmem>>
        %dma_wait3A_35 = arith.constant 0 : i32
        %dma_wait3A_36 = arith.constant 0 : i32
        %dma_wait3A_37 = tpu.memref_slice %arg3[%dma_wait3A_35, %dma_wait3A_36] : memref<1000000x64xf32, #tpu.memory_space<hbm>> -> memref<1x64xf32, #tpu.memory_space<hbm>>
        tpu.wait_dma2 semaphore(%arg8 : memref<!tpu.dma_semaphore, #tpu.memory_space<semaphore_mem>>) src(%dma_wait3A_37 : memref<1x64xf32, #tpu.memory_space<hbm>>) dst(%dma_wait3A_34 : memref<1x64xf32, #tpu.memory_space<vmem>>)
        %dma_wait3A_38 = arith.constant 0 : i32
        %dma_wait3A_39 = arith.constant 0 : i32
        %dma_wait3A_40 = tpu.memref_slice %arg6[%dma_wait3A_38, %dma_wait3A_39] : memref<512x64xf32, #tpu.memory_space<vmem>> -> memref<1x64xf32, #tpu.memory_space<vmem>>
        %dma_wait3A_41 = arith.constant 0 : i32
        %dma_wait3A_42 = arith.constant 0 : i32
        %dma_wait3A_43 = tpu.memref_slice %arg3[%dma_wait3A_41, %dma_wait3A_42] : memref<1000000x64xf32, #tpu.memory_space<hbm>> -> memref<1x64xf32, #tpu.memory_space<hbm>>
        %dma_wait3A_44 = arith.constant 0 : i32
        %dma_wait3A_45 = arith.constant 0 : i32
        %dma_wait3A_46 = tpu.memref_slice %arg6[%dma_wait3A_44, %dma_wait3A_45] : memref<512x64xf32, #tpu.memory_space<vmem>> -> memref<1x64xf32, #tpu.memory_space<vmem>>
        %dma_wait3A_47 = arith.constant 0 : i32
        %dma_wait3A_48 = arith.constant 0 : i32
        %dma_wait3A_49 = tpu.memref_slice %arg3[%dma_wait3A_47, %dma_wait3A_48] : memref<1000000x64xf32, #tpu.memory_space<hbm>> -> memref<1x64xf32, #tpu.memory_space<hbm>>
        tpu.wait_dma2 semaphore(%arg9 : memref<!tpu.dma_semaphore, #tpu.memory_space<semaphore_mem>>) src(%dma_wait3A_49 : memref<1x64xf32, #tpu.memory_space<hbm>>) dst(%dma_wait3A_46 : memref<1x64xf32, #tpu.memory_space<vmem>>)
        %dma_wait3A_50 = arith.constant 0 : i32
        %dma_wait3A_51 = arith.constant 0 : i32
        %dma_wait3A_52 = tpu.memref_slice %arg6[%dma_wait3A_50, %dma_wait3A_51] : memref<512x64xf32, #tpu.memory_space<vmem>> -> memref<1x64xf32, #tpu.memory_space<vmem>>
        %dma_wait3A_53 = arith.constant 0 : i32
        %dma_wait3A_54 = arith.constant 0 : i32
        %dma_wait3A_55 = tpu.memref_slice %arg3[%dma_wait3A_53, %dma_wait3A_54] : memref<1000000x64xf32, #tpu.memory_space<hbm>> -> memref<1x64xf32, #tpu.memory_space<hbm>>
        %dma_wait3A_56 = arith.constant 0 : i32
        %dma_wait3A_57 = arith.constant 0 : i32
        %dma_wait3A_58 = tpu.memref_slice %arg6[%dma_wait3A_56, %dma_wait3A_57] : memref<512x64xf32, #tpu.memory_space<vmem>> -> memref<1x64xf32, #tpu.memory_space<vmem>>
        %dma_wait3A_59 = arith.constant 0 : i32
        %dma_wait3A_60 = arith.constant 0 : i32
        %dma_wait3A_61 = tpu.memref_slice %arg3[%dma_wait3A_59, %dma_wait3A_60] : memref<1000000x64xf32, #tpu.memory_space<hbm>> -> memref<1x64xf32, #tpu.memory_space<hbm>>
        tpu.wait_dma2 semaphore(%arg10 : memref<!tpu.dma_semaphore, #tpu.memory_space<semaphore_mem>>) src(%dma_wait3A_61 : memref<1x64xf32, #tpu.memory_space<hbm>>) dst(%dma_wait3A_58 : memref<1x64xf32, #tpu.memory_space<vmem>>)
        %dma_wait3A_62 = arith.constant 0 : i32
        %dma_wait3A_63 = arith.constant 0 : i32
        %dma_wait3A_64 = tpu.memref_slice %arg6[%dma_wait3A_62, %dma_wait3A_63] : memref<512x64xf32, #tpu.memory_space<vmem>> -> memref<1x64xf32, #tpu.memory_space<vmem>>
        %dma_wait3A_65 = arith.constant 0 : i32
        %dma_wait3A_66 = arith.constant 0 : i32
        %dma_wait3A_67 = tpu.memref_slice %arg3[%dma_wait3A_65, %dma_wait3A_66] : memref<1000000x64xf32, #tpu.memory_space<hbm>> -> memref<1x64xf32, #tpu.memory_space<hbm>>
        %dma_wait3A_68 = arith.constant 0 : i32
        %dma_wait3A_69 = arith.constant 0 : i32
        %dma_wait3A_70 = tpu.memref_slice %arg6[%dma_wait3A_68, %dma_wait3A_69] : memref<512x64xf32, #tpu.memory_space<vmem>> -> memref<1x64xf32, #tpu.memory_space<vmem>>
        %dma_wait3A_71 = arith.constant 0 : i32
        %dma_wait3A_72 = arith.constant 0 : i32
        %dma_wait3A_73 = tpu.memref_slice %arg3[%dma_wait3A_71, %dma_wait3A_72] : memref<1000000x64xf32, #tpu.memory_space<hbm>> -> memref<1x64xf32, #tpu.memory_space<hbm>>
        tpu.wait_dma2 semaphore(%arg7 : memref<!tpu.dma_semaphore, #tpu.memory_space<semaphore_mem>>) src(%dma_wait3A_73 : memref<1x64xf32, #tpu.memory_space<hbm>>) dst(%dma_wait3A_70 : memref<1x64xf32, #tpu.memory_space<vmem>>)
        %dma_wait3A_74 = arith.constant 0 : i32
        %dma_wait3A_75 = arith.constant 0 : i32
        %dma_wait3A_76 = tpu.memref_slice %arg6[%dma_wait3A_74, %dma_wait3A_75] : memref<512x64xf32, #tpu.memory_space<vmem>> -> memref<1x64xf32, #tpu.memory_space<vmem>>
        %dma_wait3A_77 = arith.constant 0 : i32
        %dma_wait3A_78 = arith.constant 0 : i32
        %dma_wait3A_79 = tpu.memref_slice %arg3[%dma_wait3A_77, %dma_wait3A_78] : memref<1000000x64xf32, #tpu.memory_space<hbm>> -> memref<1x64xf32, #tpu.memory_space<hbm>>
        %dma_wait3A_80 = arith.constant 0 : i32
        %dma_wait3A_81 = arith.constant 0 : i32
        %dma_wait3A_82 = tpu.memref_slice %arg6[%dma_wait3A_80, %dma_wait3A_81] : memref<512x64xf32, #tpu.memory_space<vmem>> -> memref<1x64xf32, #tpu.memory_space<vmem>>
        %dma_wait3A_83 = arith.constant 0 : i32
        %dma_wait3A_84 = arith.constant 0 : i32
        %dma_wait3A_85 = tpu.memref_slice %arg3[%dma_wait3A_83, %dma_wait3A_84] : memref<1000000x64xf32, #tpu.memory_space<hbm>> -> memref<1x64xf32, #tpu.memory_space<hbm>>
        tpu.wait_dma2 semaphore(%arg8 : memref<!tpu.dma_semaphore, #tpu.memory_space<semaphore_mem>>) src(%dma_wait3A_85 : memref<1x64xf32, #tpu.memory_space<hbm>>) dst(%dma_wait3A_82 : memref<1x64xf32, #tpu.memory_space<vmem>>)
        %dma_wait3A_86 = arith.constant 0 : i32
        %dma_wait3A_87 = arith.constant 0 : i32
        %dma_wait3A_88 = tpu.memref_slice %arg6[%dma_wait3A_86, %dma_wait3A_87] : memref<512x64xf32, #tpu.memory_space<vmem>> -> memref<1x64xf32, #tpu.memory_space<vmem>>
        %dma_wait3A_89 = arith.constant 0 : i32
        %dma_wait3A_90 = arith.constant 0 : i32
        %dma_wait3A_91 = tpu.memref_slice %arg3[%dma_wait3A_89, %dma_wait3A_90] : memref<1000000x64xf32, #tpu.memory_space<hbm>> -> memref<1x64xf32, #tpu.memory_space<hbm>>
        %dma_wait3A_92 = arith.constant 0 : i32
        %dma_wait3A_93 = arith.constant 0 : i32
        %dma_wait3A_94 = tpu.memref_slice %arg6[%dma_wait3A_92, %dma_wait3A_93] : memref<512x64xf32, #tpu.memory_space<vmem>> -> memref<1x64xf32, #tpu.memory_space<vmem>>
        %dma_wait3A_95 = arith.constant 0 : i32
        %dma_wait3A_96 = arith.constant 0 : i32
        %dma_wait3A_97 = tpu.memref_slice %arg3[%dma_wait3A_95, %dma_wait3A_96] : memref<1000000x64xf32, #tpu.memory_space<hbm>> -> memref<1x64xf32, #tpu.memory_space<hbm>>
        tpu.wait_dma2 semaphore(%arg9 : memref<!tpu.dma_semaphore, #tpu.memory_space<semaphore_mem>>) src(%dma_wait3A_97 : memref<1x64xf32, #tpu.memory_space<hbm>>) dst(%dma_wait3A_94 : memref<1x64xf32, #tpu.memory_space<vmem>>)
        %dma_wait3A_98 = arith.constant 0 : i32
        %dma_wait3A_99 = arith.constant 0 : i32
        %dma_wait3A_100 = tpu.memref_slice %arg6[%dma_wait3A_98, %dma_wait3A_99] : memref<512x64xf32, #tpu.memory_space<vmem>> -> memref<1x64xf32, #tpu.memory_space<vmem>>
        %dma_wait3A_101 = arith.constant 0 : i32
        %dma_wait3A_102 = arith.constant 0 : i32
        %dma_wait3A_103 = tpu.memref_slice %arg3[%dma_wait3A_101, %dma_wait3A_102] : memref<1000000x64xf32, #tpu.memory_space<hbm>> -> memref<1x64xf32, #tpu.memory_space<hbm>>
        %dma_wait3A_104 = arith.constant 0 : i32
        %dma_wait3A_105 = arith.constant 0 : i32
        %dma_wait3A_106 = tpu.memref_slice %arg6[%dma_wait3A_104, %dma_wait3A_105] : memref<512x64xf32, #tpu.memory_space<vmem>> -> memref<1x64xf32, #tpu.memory_space<vmem>>
        %dma_wait3A_107 = arith.constant 0 : i32
        %dma_wait3A_108 = arith.constant 0 : i32
        %dma_wait3A_109 = tpu.memref_slice %arg3[%dma_wait3A_107, %dma_wait3A_108] : memref<1000000x64xf32, #tpu.memory_space<hbm>> -> memref<1x64xf32, #tpu.memory_space<hbm>>
        tpu.wait_dma2 semaphore(%arg10 : memref<!tpu.dma_semaphore, #tpu.memory_space<semaphore_mem>>) src(%dma_wait3A_109 : memref<1x64xf32, #tpu.memory_space<hbm>>) dst(%dma_wait3A_106 : memref<1x64xf32, #tpu.memory_space<vmem>>)
        %dma_wait3A_110 = arith.constant 0 : i32
        %dma_wait3A_111 = arith.constant 0 : i32
        %dma_wait3A_112 = tpu.memref_slice %arg6[%dma_wait3A_110, %dma_wait3A_111] : memref<512x64xf32, #tpu.memory_space<vmem>> -> memref<1x64xf32, #tpu.memory_space<vmem>>
        %dma_wait3A_113 = arith.constant 0 : i32
        %dma_wait3A_114 = arith.constant 0 : i32
        %dma_wait3A_115 = tpu.memref_slice %arg3[%dma_wait3A_113, %dma_wait3A_114] : memref<1000000x64xf32, #tpu.memory_space<hbm>> -> memref<1x64xf32, #tpu.memory_space<hbm>>
        %dma_wait3A_116 = arith.constant 0 : i32
        %dma_wait3A_117 = arith.constant 0 : i32
        %dma_wait3A_118 = tpu.memref_slice %arg6[%dma_wait3A_116, %dma_wait3A_117] : memref<512x64xf32, #tpu.memory_space<vmem>> -> memref<1x64xf32, #tpu.memory_space<vmem>>
        %dma_wait3A_119 = arith.constant 0 : i32
        %dma_wait3A_120 = arith.constant 0 : i32
        %dma_wait3A_121 = tpu.memref_slice %arg3[%dma_wait3A_119, %dma_wait3A_120] : memref<1000000x64xf32, #tpu.memory_space<hbm>> -> memref<1x64xf32, #tpu.memory_space<hbm>>
        tpu.wait_dma2 semaphore(%arg7 : memref<!tpu.dma_semaphore, #tpu.memory_space<semaphore_mem>>) src(%dma_wait3A_121 : memref<1x64xf32, #tpu.memory_space<hbm>>) dst(%dma_wait3A_118 : memref<1x64xf32, #tpu.memory_space<vmem>>)
        %dma_wait3A_122 = arith.constant 0 : i32
        %dma_wait3A_123 = arith.constant 0 : i32
        %dma_wait3A_124 = tpu.memref_slice %arg6[%dma_wait3A_122, %dma_wait3A_123] : memref<512x64xf32, #tpu.memory_space<vmem>> -> memref<1x64xf32, #tpu.memory_space<vmem>>
        %dma_wait3A_125 = arith.constant 0 : i32
        %dma_wait3A_126 = arith.constant 0 : i32
        %dma_wait3A_127 = tpu.memref_slice %arg3[%dma_wait3A_125, %dma_wait3A_126] : memref<1000000x64xf32, #tpu.memory_space<hbm>> -> memref<1x64xf32, #tpu.memory_space<hbm>>
        %dma_wait3A_128 = arith.constant 0 : i32
        %dma_wait3A_129 = arith.constant 0 : i32
        %dma_wait3A_130 = tpu.memref_slice %arg6[%dma_wait3A_128, %dma_wait3A_129] : memref<512x64xf32, #tpu.memory_space<vmem>> -> memref<1x64xf32, #tpu.memory_space<vmem>>
        %dma_wait3A_131 = arith.constant 0 : i32
        %dma_wait3A_132 = arith.constant 0 : i32
        %dma_wait3A_133 = tpu.memref_slice %arg3[%dma_wait3A_131, %dma_wait3A_132] : memref<1000000x64xf32, #tpu.memory_space<hbm>> -> memref<1x64xf32, #tpu.memory_space<hbm>>
        tpu.wait_dma2 semaphore(%arg8 : memref<!tpu.dma_semaphore, #tpu.memory_space<semaphore_mem>>) src(%dma_wait3A_133 : memref<1x64xf32, #tpu.memory_space<hbm>>) dst(%dma_wait3A_130 : memref<1x64xf32, #tpu.memory_space<vmem>>)
        %dma_wait3A_134 = arith.constant 0 : i32
        %dma_wait3A_135 = arith.constant 0 : i32
        %dma_wait3A_136 = tpu.memref_slice %arg6[%dma_wait3A_134, %dma_wait3A_135] : memref<512x64xf32, #tpu.memory_space<vmem>> -> memref<1x64xf32, #tpu.memory_space<vmem>>
        %dma_wait3A_137 = arith.constant 0 : i32
        %dma_wait3A_138 = arith.constant 0 : i32
        %dma_wait3A_139 = tpu.memref_slice %arg3[%dma_wait3A_137, %dma_wait3A_138] : memref<1000000x64xf32, #tpu.memory_space<hbm>> -> memref<1x64xf32, #tpu.memory_space<hbm>>
        %dma_wait3A_140 = arith.constant 0 : i32
        %dma_wait3A_141 = arith.constant 0 : i32
        %dma_wait3A_142 = tpu.memref_slice %arg6[%dma_wait3A_140, %dma_wait3A_141] : memref<512x64xf32, #tpu.memory_space<vmem>> -> memref<1x64xf32, #tpu.memory_space<vmem>>
        %dma_wait3A_143 = arith.constant 0 : i32
        %dma_wait3A_144 = arith.constant 0 : i32
        %dma_wait3A_145 = tpu.memref_slice %arg3[%dma_wait3A_143, %dma_wait3A_144] : memref<1000000x64xf32, #tpu.memory_space<hbm>> -> memref<1x64xf32, #tpu.memory_space<hbm>>
        tpu.wait_dma2 semaphore(%arg9 : memref<!tpu.dma_semaphore, #tpu.memory_space<semaphore_mem>>) src(%dma_wait3A_145 : memref<1x64xf32, #tpu.memory_space<hbm>>) dst(%dma_wait3A_142 : memref<1x64xf32, #tpu.memory_space<vmem>>)
        %dma_wait3A_146 = arith.constant 0 : i32
        %dma_wait3A_147 = arith.constant 0 : i32
        %dma_wait3A_148 = tpu.memref_slice %arg6[%dma_wait3A_146, %dma_wait3A_147] : memref<512x64xf32, #tpu.memory_space<vmem>> -> memref<1x64xf32, #tpu.memory_space<vmem>>
        %dma_wait3A_149 = arith.constant 0 : i32
        %dma_wait3A_150 = arith.constant 0 : i32
        %dma_wait3A_151 = tpu.memref_slice %arg3[%dma_wait3A_149, %dma_wait3A_150] : memref<1000000x64xf32, #tpu.memory_space<hbm>> -> memref<1x64xf32, #tpu.memory_space<hbm>>
        %dma_wait3A_152 = arith.constant 0 : i32
        %dma_wait3A_153 = arith.constant 0 : i32
        %dma_wait3A_154 = tpu.memref_slice %arg6[%dma_wait3A_152, %dma_wait3A_153] : memref<512x64xf32, #tpu.memory_space<vmem>> -> memref<1x64xf32, #tpu.memory_space<vmem>>
        %dma_wait3A_155 = arith.constant 0 : i32
        %dma_wait3A_156 = arith.constant 0 : i32
        %dma_wait3A_157 = tpu.memref_slice %arg3[%dma_wait3A_155, %dma_wait3A_156] : memref<1000000x64xf32, #tpu.memory_space<hbm>> -> memref<1x64xf32, #tpu.memory_space<hbm>>
        tpu.wait_dma2 semaphore(%arg10 : memref<!tpu.dma_semaphore, #tpu.memory_space<semaphore_mem>>) src(%dma_wait3A_157 : memref<1x64xf32, #tpu.memory_space<hbm>>) dst(%dma_wait3A_154 : memref<1x64xf32, #tpu.memory_space<vmem>>)
        %dma_wait3A_158 = arith.constant 0 : i32
        %dma_wait3A_159 = arith.constant 0 : i32
        %dma_wait3A_160 = tpu.memref_slice %arg6[%dma_wait3A_158, %dma_wait3A_159] : memref<512x64xf32, #tpu.memory_space<vmem>> -> memref<1x64xf32, #tpu.memory_space<vmem>>
        %dma_wait3A_161 = arith.constant 0 : i32
        %dma_wait3A_162 = arith.constant 0 : i32
        %dma_wait3A_163 = tpu.memref_slice %arg3[%dma_wait3A_161, %dma_wait3A_162] : memref<1000000x64xf32, #tpu.memory_space<hbm>> -> memref<1x64xf32, #tpu.memory_space<hbm>>
        %dma_wait3A_164 = arith.constant 0 : i32
        %dma_wait3A_165 = arith.constant 0 : i32
        %dma_wait3A_166 = tpu.memref_slice %arg6[%dma_wait3A_164, %dma_wait3A_165] : memref<512x64xf32, #tpu.memory_space<vmem>> -> memref<1x64xf32, #tpu.memory_space<vmem>>
        %dma_wait3A_167 = arith.constant 0 : i32
        %dma_wait3A_168 = arith.constant 0 : i32
        %dma_wait3A_169 = tpu.memref_slice %arg3[%dma_wait3A_167, %dma_wait3A_168] : memref<1000000x64xf32, #tpu.memory_space<hbm>> -> memref<1x64xf32, #tpu.memory_space<hbm>>
        tpu.wait_dma2 semaphore(%arg7 : memref<!tpu.dma_semaphore, #tpu.memory_space<semaphore_mem>>) src(%dma_wait3A_169 : memref<1x64xf32, #tpu.memory_space<hbm>>) dst(%dma_wait3A_166 : memref<1x64xf32, #tpu.memory_space<vmem>>)
        %dma_wait3A_170 = arith.constant 0 : i32
        %dma_wait3A_171 = arith.constant 0 : i32
        %dma_wait3A_172 = tpu.memref_slice %arg6[%dma_wait3A_170, %dma_wait3A_171] : memref<512x64xf32, #tpu.memory_space<vmem>> -> memref<1x64xf32, #tpu.memory_space<vmem>>
        %dma_wait3A_173 = arith.constant 0 : i32
        %dma_wait3A_174 = arith.constant 0 : i32
        %dma_wait3A_175 = tpu.memref_slice %arg3[%dma_wait3A_173, %dma_wait3A_174] : memref<1000000x64xf32, #tpu.memory_space<hbm>> -> memref<1x64xf32, #tpu.memory_space<hbm>>
        %dma_wait3A_176 = arith.constant 0 : i32
        %dma_wait3A_177 = arith.constant 0 : i32
        %dma_wait3A_178 = tpu.memref_slice %arg6[%dma_wait3A_176, %dma_wait3A_177] : memref<512x64xf32, #tpu.memory_space<vmem>> -> memref<1x64xf32, #tpu.memory_space<vmem>>
        %dma_wait3A_179 = arith.constant 0 : i32
        %dma_wait3A_180 = arith.constant 0 : i32
        %dma_wait3A_181 = tpu.memref_slice %arg3[%dma_wait3A_179, %dma_wait3A_180] : memref<1000000x64xf32, #tpu.memory_space<hbm>> -> memref<1x64xf32, #tpu.memory_space<hbm>>
        tpu.wait_dma2 semaphore(%arg8 : memref<!tpu.dma_semaphore, #tpu.memory_space<semaphore_mem>>) src(%dma_wait3A_181 : memref<1x64xf32, #tpu.memory_space<hbm>>) dst(%dma_wait3A_178 : memref<1x64xf32, #tpu.memory_space<vmem>>)
        %dma_wait3A_182 = arith.constant 0 : i32
        %dma_wait3A_183 = arith.constant 0 : i32
        %dma_wait3A_184 = tpu.memref_slice %arg6[%dma_wait3A_182, %dma_wait3A_183] : memref<512x64xf32, #tpu.memory_space<vmem>> -> memref<1x64xf32, #tpu.memory_space<vmem>>
        %dma_wait3A_185 = arith.constant 0 : i32
        %dma_wait3A_186 = arith.constant 0 : i32
        %dma_wait3A_187 = tpu.memref_slice %arg3[%dma_wait3A_185, %dma_wait3A_186] : memref<1000000x64xf32, #tpu.memory_space<hbm>> -> memref<1x64xf32, #tpu.memory_space<hbm>>
        %dma_wait3A_188 = arith.constant 0 : i32
        %dma_wait3A_189 = arith.constant 0 : i32
        %dma_wait3A_190 = tpu.memref_slice %arg6[%dma_wait3A_188, %dma_wait3A_189] : memref<512x64xf32, #tpu.memory_space<vmem>> -> memref<1x64xf32, #tpu.memory_space<vmem>>
        %dma_wait3A_191 = arith.constant 0 : i32
        %dma_wait3A_192 = arith.constant 0 : i32
        %dma_wait3A_193 = tpu.memref_slice %arg3[%dma_wait3A_191, %dma_wait3A_192] : memref<1000000x64xf32, #tpu.memory_space<hbm>> -> memref<1x64xf32, #tpu.memory_space<hbm>>
        tpu.wait_dma2 semaphore(%arg9 : memref<!tpu.dma_semaphore, #tpu.memory_space<semaphore_mem>>) src(%dma_wait3A_193 : memref<1x64xf32, #tpu.memory_space<hbm>>) dst(%dma_wait3A_190 : memref<1x64xf32, #tpu.memory_space<vmem>>)
        %dma_wait3A_194 = arith.constant 0 : i32
        %dma_wait3A_195 = arith.constant 0 : i32
        %dma_wait3A_196 = tpu.memref_slice %arg6[%dma_wait3A_194, %dma_wait3A_195] : memref<512x64xf32, #tpu.memory_space<vmem>> -> memref<1x64xf32, #tpu.memory_space<vmem>>
        %dma_wait3A_197 = arith.constant 0 : i32
        %dma_wait3A_198 = arith.constant 0 : i32
        %dma_wait3A_199 = tpu.memref_slice %arg3[%dma_wait3A_197, %dma_wait3A_198] : memref<1000000x64xf32, #tpu.memory_space<hbm>> -> memref<1x64xf32, #tpu.memory_space<hbm>>
        %dma_wait3A_200 = arith.constant 0 : i32
        %dma_wait3A_201 = arith.constant 0 : i32
        %dma_wait3A_202 = tpu.memref_slice %arg6[%dma_wait3A_200, %dma_wait3A_201] : memref<512x64xf32, #tpu.memory_space<vmem>> -> memref<1x64xf32, #tpu.memory_space<vmem>>
        %dma_wait3A_203 = arith.constant 0 : i32
        %dma_wait3A_204 = arith.constant 0 : i32
        %dma_wait3A_205 = tpu.memref_slice %arg3[%dma_wait3A_203, %dma_wait3A_204] : memref<1000000x64xf32, #tpu.memory_space<hbm>> -> memref<1x64xf32, #tpu.memory_space<hbm>>
        tpu.wait_dma2 semaphore(%arg10 : memref<!tpu.dma_semaphore, #tpu.memory_space<semaphore_mem>>) src(%dma_wait3A_205 : memref<1x64xf32, #tpu.memory_space<hbm>>) dst(%dma_wait3A_202 : memref<1x64xf32, #tpu.memory_space<vmem>>)
      } else {
      }
    }
    %scan3A_7 = arith.constant 36 : i32
    "tpu.region"() ({
      %run_scoped3A = tpu.sem_alloc : memref<!tpu.dma_semaphore, #tpu.memory_space<semaphore_mem>>
      %dma_start3A = arith.constant 0 : i32
      %dma_start3A_8 = tpu.memref_slice %arg4[%mul3A_2, %dma_start3A] : memref<16384x64xf32, #tpu.memory_space<hbm>> -> memref<512x64xf32, #tpu.memory_space<hbm>>
      %dma_start3A_9 = arith.constant 0 : i32
      %dma_start3A_10 = tpu.memref_slice %arg4[%mul3A_2, %dma_start3A_9] : memref<16384x64xf32, #tpu.memory_space<hbm>> -> memref<512x64xf32, #tpu.memory_space<hbm>>
      tpu.enqueue_dma source(%arg6 : memref<512x64xf32, #tpu.memory_space<vmem>>) target(%dma_start3A_10 : memref<512x64xf32, #tpu.memory_space<hbm>>) target_semaphore(%run_scoped3A : memref<!tpu.dma_semaphore, #tpu.memory_space<semaphore_mem>>)
      %dma_wait3A = arith.constant 0 : i32
      %dma_wait3A_11 = tpu.memref_slice %arg4[%mul3A_2, %dma_wait3A] : memref<16384x64xf32, #tpu.memory_space<hbm>> -> memref<512x64xf32, #tpu.memory_space<hbm>>
      %dma_wait3A_12 = arith.constant 0 : i32
      %dma_wait3A_13 = tpu.memref_slice %arg4[%mul3A_2, %dma_wait3A_12] : memref<16384x64xf32, #tpu.memory_space<hbm>> -> memref<512x64xf32, #tpu.memory_space<hbm>>
      tpu.wait_dma2 semaphore(%run_scoped3A : memref<!tpu.dma_semaphore, #tpu.memory_space<semaphore_mem>>) src(%arg6 : memref<512x64xf32, #tpu.memory_space<vmem>>) dst(%dma_wait3A_13 : memref<512x64xf32, #tpu.memory_space<hbm>>)
      tpu.yield
    }) : () -> ()
    return
  }
}

module attributes {stable_mosaic.version = 14 : i64} {
  func.func @_combine_body(%arg0: i32, %arg1: memref<2048x1xi32, #tpu.memory_space<vmem>>, %arg2: memref<2048x64xf32, #tpu.memory_space<vmem>>, %arg3: memref<2048x32xf32, #tpu.memory_space<vmem>>, %arg4: memref<2048x32xf32, #tpu.memory_space<vmem>>, %arg5: memref<2048x32xf32, #tpu.memory_space<vmem>>) attributes {dimension_semantics = [#tpu.dimension_semantics<arbitrary>], iteration_bounds = array<i64: 8>, scalar_prefetch = 0 : i64, scratch_operands = 0 : i64, tpu.core_type = #tpu.core_type<tc>, window_params = [{transform_indices = @transform_0, window_bounds = array<i64: 2048, 1>}, {transform_indices = @transform_1, window_bounds = array<i64: 2048, 64>}, {transform_indices = @transform_2, window_bounds = array<i64: 2048, 32>}, {transform_indices = @transform_3, window_bounds = array<i64: 2048, 32>}, {transform_indices = @transform_4, window_bounds = array<i64: 2048, 32>}]} {
    %get3A = arith.constant 0 : index
    %get3A_0 = arith.constant 0 : index
    %get3A_1 = vector.load %arg1[%get3A, %get3A_0] : memref<2048x1xi32, #tpu.memory_space<vmem>>, vector<2048x1xi32>
    %iota3A = tpu.iota {dimensions = array<i32: 1>} : vector<2048x32xi32>
    %mul3A = arith.constant 32 : i32
    %mul3A_2 = vector.broadcast %mul3A : i32 to vector<2048x1xi32>
    %mul3A_3 = arith.muli %get3A_1, %mul3A_2 : vector<2048x1xi32>
    %add3A = vector.broadcast %mul3A_3 : vector<2048x1xi32> to vector<2048x32xi32>
    %add3A_4 = arith.addi %add3A, %iota3A : vector<2048x32xi32>
    %broadcast_in_dim3A = arith.constant 0 : i32
    %broadcast_in_dim3A_5 = vector.broadcast %broadcast_in_dim3A : i32 to vector<2048x32xi32>
    %add3A_6 = arith.constant 0 : i32
    %add3A_7 = vector.broadcast %add3A_6 : i32 to vector<2048x32xi32>
    %add3A_8 = arith.addi %broadcast_in_dim3A_5, %add3A_7 : vector<2048x32xi32>
    %add3A_9 = arith.constant 1 : i32
    %add3A_10 = vector.broadcast %add3A_9 : i32 to vector<2048x32xi32>
    %add3A_11 = arith.addi %add3A_4, %add3A_10 : vector<2048x32xi32>
    %add3A_12 = arith.addi %add3A_8, %add3A_11 : vector<2048x32xi32>
    %shift_left3A = arith.constant 13 : i32
    %shift_left3A_13 = vector.broadcast %shift_left3A : i32 to vector<2048x32xi32>
    %shift_left3A_14 = arith.shli %add3A_11, %shift_left3A_13 : vector<2048x32xi32>
    %shift_right_logical3A = arith.constant 19 : i32
    %shift_right_logical3A_15 = vector.broadcast %shift_right_logical3A : i32 to vector<2048x32xi32>
    %shift_right_logical3A_16 = arith.shrui %add3A_11, %shift_right_logical3A_15 : vector<2048x32xi32>
    %or3A = arith.ori %shift_left3A_14, %shift_right_logical3A_16 : vector<2048x32xi32>
    %xor3A = arith.xori %or3A, %add3A_12 : vector<2048x32xi32>
    %add3A_17 = arith.addi %add3A_12, %xor3A : vector<2048x32xi32>
    %shift_left3A_18 = arith.constant 15 : i32
    %shift_left3A_19 = vector.broadcast %shift_left3A_18 : i32 to vector<2048x32xi32>
    %shift_left3A_20 = arith.shli %xor3A, %shift_left3A_19 : vector<2048x32xi32>
    %shift_right_logical3A_21 = arith.constant 17 : i32
    %shift_right_logical3A_22 = vector.broadcast %shift_right_logical3A_21 : i32 to vector<2048x32xi32>
    %shift_right_logical3A_23 = arith.shrui %xor3A, %shift_right_logical3A_22 : vector<2048x32xi32>
    %or3A_24 = arith.ori %shift_left3A_20, %shift_right_logical3A_23 : vector<2048x32xi32>
    %xor3A_25 = arith.xori %or3A_24, %add3A_17 : vector<2048x32xi32>
    %add3A_26 = arith.addi %add3A_17, %xor3A_25 : vector<2048x32xi32>
    %shift_left3A_27 = arith.constant 26 : i32
    %shift_left3A_28 = vector.broadcast %shift_left3A_27 : i32 to vector<2048x32xi32>
    %shift_left3A_29 = arith.shli %xor3A_25, %shift_left3A_28 : vector<2048x32xi32>
    %shift_right_logical3A_30 = arith.constant 6 : i32
    %shift_right_logical3A_31 = vector.broadcast %shift_right_logical3A_30 : i32 to vector<2048x32xi32>
    %shift_right_logical3A_32 = arith.shrui %xor3A_25, %shift_right_logical3A_31 : vector<2048x32xi32>
    %or3A_33 = arith.ori %shift_left3A_29, %shift_right_logical3A_32 : vector<2048x32xi32>
    %xor3A_34 = arith.xori %or3A_33, %add3A_26 : vector<2048x32xi32>
    %add3A_35 = arith.addi %add3A_26, %xor3A_34 : vector<2048x32xi32>
    %shift_left3A_36 = arith.constant 6 : i32
    %shift_left3A_37 = vector.broadcast %shift_left3A_36 : i32 to vector<2048x32xi32>
    %shift_left3A_38 = arith.shli %xor3A_34, %shift_left3A_37 : vector<2048x32xi32>
    %shift_right_logical3A_39 = arith.constant 26 : i32
    %shift_right_logical3A_40 = vector.broadcast %shift_right_logical3A_39 : i32 to vector<2048x32xi32>
    %shift_right_logical3A_41 = arith.shrui %xor3A_34, %shift_right_logical3A_40 : vector<2048x32xi32>
    %or3A_42 = arith.ori %shift_left3A_38, %shift_right_logical3A_41 : vector<2048x32xi32>
    %xor3A_43 = arith.xori %or3A_42, %add3A_35 : vector<2048x32xi32>
    %add3A_44 = arith.constant 1 : i32
    %add3A_45 = vector.broadcast %add3A_44 : i32 to vector<2048x32xi32>
    %add3A_46 = arith.addi %add3A_35, %add3A_45 : vector<2048x32xi32>
    %add3A_47 = arith.constant 466688987 : i32
    %add3A_48 = vector.broadcast %add3A_47 : i32 to vector<2048x32xi32>
    %add3A_49 = arith.addi %xor3A_43, %add3A_48 : vector<2048x32xi32>
    %add3A_50 = arith.constant 1 : i32
    %add3A_51 = vector.broadcast %add3A_50 : i32 to vector<2048x32xi32>
    %add3A_52 = arith.addi %add3A_49, %add3A_51 : vector<2048x32xi32>
    %add3A_53 = arith.addi %add3A_46, %add3A_52 : vector<2048x32xi32>
    %shift_left3A_54 = arith.constant 17 : i32
    %shift_left3A_55 = vector.broadcast %shift_left3A_54 : i32 to vector<2048x32xi32>
    %shift_left3A_56 = arith.shli %add3A_52, %shift_left3A_55 : vector<2048x32xi32>
    %shift_right_logical3A_57 = arith.constant 15 : i32
    %shift_right_logical3A_58 = vector.broadcast %shift_right_logical3A_57 : i32 to vector<2048x32xi32>
    %shift_right_logical3A_59 = arith.shrui %add3A_52, %shift_right_logical3A_58 : vector<2048x32xi32>
    %or3A_60 = arith.ori %shift_left3A_56, %shift_right_logical3A_59 : vector<2048x32xi32>
    %xor3A_61 = arith.xori %or3A_60, %add3A_53 : vector<2048x32xi32>
    %add3A_62 = arith.addi %add3A_53, %xor3A_61 : vector<2048x32xi32>
    %shift_left3A_63 = arith.constant 29 : i32
    %shift_left3A_64 = vector.broadcast %shift_left3A_63 : i32 to vector<2048x32xi32>
    %shift_left3A_65 = arith.shli %xor3A_61, %shift_left3A_64 : vector<2048x32xi32>
    %shift_right_logical3A_66 = arith.constant 3 : i32
    %shift_right_logical3A_67 = vector.broadcast %shift_right_logical3A_66 : i32 to vector<2048x32xi32>
    %shift_right_logical3A_68 = arith.shrui %xor3A_61, %shift_right_logical3A_67 : vector<2048x32xi32>
    %or3A_69 = arith.ori %shift_left3A_65, %shift_right_logical3A_68 : vector<2048x32xi32>
    %xor3A_70 = arith.xori %or3A_69, %add3A_62 : vector<2048x32xi32>
    %add3A_71 = arith.addi %add3A_62, %xor3A_70 : vector<2048x32xi32>
    %shift_left3A_72 = arith.constant 16 : i32
    %shift_left3A_73 = vector.broadcast %shift_left3A_72 : i32 to vector<2048x32xi32>
    %shift_left3A_74 = arith.shli %xor3A_70, %shift_left3A_73 : vector<2048x32xi32>
    %shift_right_logical3A_75 = arith.constant 16 : i32
    %shift_right_logical3A_76 = vector.broadcast %shift_right_logical3A_75 : i32 to vector<2048x32xi32>
    %shift_right_logical3A_77 = arith.shrui %xor3A_70, %shift_right_logical3A_76 : vector<2048x32xi32>
    %or3A_78 = arith.ori %shift_left3A_74, %shift_right_logical3A_77 : vector<2048x32xi32>
    %xor3A_79 = arith.xori %or3A_78, %add3A_71 : vector<2048x32xi32>
    %add3A_80 = arith.addi %add3A_71, %xor3A_79 : vector<2048x32xi32>
    %shift_left3A_81 = arith.constant 24 : i32
    %shift_left3A_82 = vector.broadcast %shift_left3A_81 : i32 to vector<2048x32xi32>
    %shift_left3A_83 = arith.shli %xor3A_79, %shift_left3A_82 : vector<2048x32xi32>
    %shift_right_logical3A_84 = arith.constant 8 : i32
    %shift_right_logical3A_85 = vector.broadcast %shift_right_logical3A_84 : i32 to vector<2048x32xi32>
    %shift_right_logical3A_86 = arith.shrui %xor3A_79, %shift_right_logical3A_85 : vector<2048x32xi32>
    %or3A_87 = arith.ori %shift_left3A_83, %shift_right_logical3A_86 : vector<2048x32xi32>
    %xor3A_88 = arith.xori %or3A_87, %add3A_80 : vector<2048x32xi32>
    %add3A_89 = arith.constant 466688987 : i32
    %add3A_90 = vector.broadcast %add3A_89 : i32 to vector<2048x32xi32>
    %add3A_91 = arith.addi %add3A_80, %add3A_90 : vector<2048x32xi32>
    %add3A_92 = arith.constant 0 : i32
    %add3A_93 = vector.broadcast %add3A_92 : i32 to vector<2048x32xi32>
    %add3A_94 = arith.addi %xor3A_88, %add3A_93 : vector<2048x32xi32>
    %add3A_95 = arith.constant 2 : i32
    %add3A_96 = vector.broadcast %add3A_95 : i32 to vector<2048x32xi32>
    %add3A_97 = arith.addi %add3A_94, %add3A_96 : vector<2048x32xi32>
    %add3A_98 = arith.addi %add3A_91, %add3A_97 : vector<2048x32xi32>
    %shift_left3A_99 = arith.constant 13 : i32
    %shift_left3A_100 = vector.broadcast %shift_left3A_99 : i32 to vector<2048x32xi32>
    %shift_left3A_101 = arith.shli %add3A_97, %shift_left3A_100 : vector<2048x32xi32>
    %shift_right_logical3A_102 = arith.constant 19 : i32
    %shift_right_logical3A_103 = vector.broadcast %shift_right_logical3A_102 : i32 to vector<2048x32xi32>
    %shift_right_logical3A_104 = arith.shrui %add3A_97, %shift_right_logical3A_103 : vector<2048x32xi32>
    %or3A_105 = arith.ori %shift_left3A_101, %shift_right_logical3A_104 : vector<2048x32xi32>
    %xor3A_106 = arith.xori %or3A_105, %add3A_98 : vector<2048x32xi32>
    %add3A_107 = arith.addi %add3A_98, %xor3A_106 : vector<2048x32xi32>
    %shift_left3A_108 = arith.constant 15 : i32
    %shift_left3A_109 = vector.broadcast %shift_left3A_108 : i32 to vector<2048x32xi32>
    %shift_left3A_110 = arith.shli %xor3A_106, %shift_left3A_109 : vector<2048x32xi32>
    %shift_right_logical3A_111 = arith.constant 17 : i32
    %shift_right_logical3A_112 = vector.broadcast %shift_right_logical3A_111 : i32 to vector<2048x32xi32>
    %shift_right_logical3A_113 = arith.shrui %xor3A_106, %shift_right_logical3A_112 : vector<2048x32xi32>
    %or3A_114 = arith.ori %shift_left3A_110, %shift_right_logical3A_113 : vector<2048x32xi32>
    %xor3A_115 = arith.xori %or3A_114, %add3A_107 : vector<2048x32xi32>
    %add3A_116 = arith.addi %add3A_107, %xor3A_115 : vector<2048x32xi32>
    %shift_left3A_117 = arith.constant 26 : i32
    %shift_left3A_118 = vector.broadcast %shift_left3A_117 : i32 to vector<2048x32xi32>
    %shift_left3A_119 = arith.shli %xor3A_115, %shift_left3A_118 : vector<2048x32xi32>
    %shift_right_logical3A_120 = arith.constant 6 : i32
    %shift_right_logical3A_121 = vector.broadcast %shift_right_logical3A_120 : i32 to vector<2048x32xi32>
    %shift_right_logical3A_122 = arith.shrui %xor3A_115, %shift_right_logical3A_121 : vector<2048x32xi32>
    %or3A_123 = arith.ori %shift_left3A_119, %shift_right_logical3A_122 : vector<2048x32xi32>
    %xor3A_124 = arith.xori %or3A_123, %add3A_116 : vector<2048x32xi32>
    %add3A_125 = arith.addi %add3A_116, %xor3A_124 : vector<2048x32xi32>
    %shift_left3A_126 = arith.constant 6 : i32
    %shift_left3A_127 = vector.broadcast %shift_left3A_126 : i32 to vector<2048x32xi32>
    %shift_left3A_128 = arith.shli %xor3A_124, %shift_left3A_127 : vector<2048x32xi32>
    %shift_right_logical3A_129 = arith.constant 26 : i32
    %shift_right_logical3A_130 = vector.broadcast %shift_right_logical3A_129 : i32 to vector<2048x32xi32>
    %shift_right_logical3A_131 = arith.shrui %xor3A_124, %shift_right_logical3A_130 : vector<2048x32xi32>
    %or3A_132 = arith.ori %shift_left3A_128, %shift_right_logical3A_131 : vector<2048x32xi32>
    %xor3A_133 = arith.xori %or3A_132, %add3A_125 : vector<2048x32xi32>
    %add3A_134 = arith.constant 0 : i32
    %add3A_135 = vector.broadcast %add3A_134 : i32 to vector<2048x32xi32>
    %add3A_136 = arith.addi %add3A_125, %add3A_135 : vector<2048x32xi32>
    %add3A_137 = arith.constant 1 : i32
    %add3A_138 = vector.broadcast %add3A_137 : i32 to vector<2048x32xi32>
    %add3A_139 = arith.addi %xor3A_133, %add3A_138 : vector<2048x32xi32>
    %add3A_140 = arith.constant 3 : i32
    %add3A_141 = vector.broadcast %add3A_140 : i32 to vector<2048x32xi32>
    %add3A_142 = arith.addi %add3A_139, %add3A_141 : vector<2048x32xi32>
    %add3A_143 = arith.addi %add3A_136, %add3A_142 : vector<2048x32xi32>
    %shift_left3A_144 = arith.constant 17 : i32
    %shift_left3A_145 = vector.broadcast %shift_left3A_144 : i32 to vector<2048x32xi32>
    %shift_left3A_146 = arith.shli %add3A_142, %shift_left3A_145 : vector<2048x32xi32>
    %shift_right_logical3A_147 = arith.constant 15 : i32
    %shift_right_logical3A_148 = vector.broadcast %shift_right_logical3A_147 : i32 to vector<2048x32xi32>
    %shift_right_logical3A_149 = arith.shrui %add3A_142, %shift_right_logical3A_148 : vector<2048x32xi32>
    %or3A_150 = arith.ori %shift_left3A_146, %shift_right_logical3A_149 : vector<2048x32xi32>
    %xor3A_151 = arith.xori %or3A_150, %add3A_143 : vector<2048x32xi32>
    %add3A_152 = arith.addi %add3A_143, %xor3A_151 : vector<2048x32xi32>
    %shift_left3A_153 = arith.constant 29 : i32
    %shift_left3A_154 = vector.broadcast %shift_left3A_153 : i32 to vector<2048x32xi32>
    %shift_left3A_155 = arith.shli %xor3A_151, %shift_left3A_154 : vector<2048x32xi32>
    %shift_right_logical3A_156 = arith.constant 3 : i32
    %shift_right_logical3A_157 = vector.broadcast %shift_right_logical3A_156 : i32 to vector<2048x32xi32>
    %shift_right_logical3A_158 = arith.shrui %xor3A_151, %shift_right_logical3A_157 : vector<2048x32xi32>
    %or3A_159 = arith.ori %shift_left3A_155, %shift_right_logical3A_158 : vector<2048x32xi32>
    %xor3A_160 = arith.xori %or3A_159, %add3A_152 : vector<2048x32xi32>
    %add3A_161 = arith.addi %add3A_152, %xor3A_160 : vector<2048x32xi32>
    %shift_left3A_162 = arith.constant 16 : i32
    %shift_left3A_163 = vector.broadcast %shift_left3A_162 : i32 to vector<2048x32xi32>
    %shift_left3A_164 = arith.shli %xor3A_160, %shift_left3A_163 : vector<2048x32xi32>
    %shift_right_logical3A_165 = arith.constant 16 : i32
    %shift_right_logical3A_166 = vector.broadcast %shift_right_logical3A_165 : i32 to vector<2048x32xi32>
    %shift_right_logical3A_167 = arith.shrui %xor3A_160, %shift_right_logical3A_166 : vector<2048x32xi32>
    %or3A_168 = arith.ori %shift_left3A_164, %shift_right_logical3A_167 : vector<2048x32xi32>
    %xor3A_169 = arith.xori %or3A_168, %add3A_161 : vector<2048x32xi32>
    %add3A_170 = arith.addi %add3A_161, %xor3A_169 : vector<2048x32xi32>
    %shift_left3A_171 = arith.constant 24 : i32
    %shift_left3A_172 = vector.broadcast %shift_left3A_171 : i32 to vector<2048x32xi32>
    %shift_left3A_173 = arith.shli %xor3A_169, %shift_left3A_172 : vector<2048x32xi32>
    %shift_right_logical3A_174 = arith.constant 8 : i32
    %shift_right_logical3A_175 = vector.broadcast %shift_right_logical3A_174 : i32 to vector<2048x32xi32>
    %shift_right_logical3A_176 = arith.shrui %xor3A_169, %shift_right_logical3A_175 : vector<2048x32xi32>
    %or3A_177 = arith.ori %shift_left3A_173, %shift_right_logical3A_176 : vector<2048x32xi32>
    %xor3A_178 = arith.xori %or3A_177, %add3A_170 : vector<2048x32xi32>
    %add3A_179 = arith.constant 1 : i32
    %add3A_180 = vector.broadcast %add3A_179 : i32 to vector<2048x32xi32>
    %add3A_181 = arith.addi %add3A_170, %add3A_180 : vector<2048x32xi32>
    %add3A_182 = arith.constant 466688987 : i32
    %add3A_183 = vector.broadcast %add3A_182 : i32 to vector<2048x32xi32>
    %add3A_184 = arith.addi %xor3A_178, %add3A_183 : vector<2048x32xi32>
    %add3A_185 = arith.constant 4 : i32
    %add3A_186 = vector.broadcast %add3A_185 : i32 to vector<2048x32xi32>
    %add3A_187 = arith.addi %add3A_184, %add3A_186 : vector<2048x32xi32>
    %add3A_188 = arith.addi %add3A_181, %add3A_187 : vector<2048x32xi32>
    %shift_left3A_189 = arith.constant 13 : i32
    %shift_left3A_190 = vector.broadcast %shift_left3A_189 : i32 to vector<2048x32xi32>
    %shift_left3A_191 = arith.shli %add3A_187, %shift_left3A_190 : vector<2048x32xi32>
    %shift_right_logical3A_192 = arith.constant 19 : i32
    %shift_right_logical3A_193 = vector.broadcast %shift_right_logical3A_192 : i32 to vector<2048x32xi32>
    %shift_right_logical3A_194 = arith.shrui %add3A_187, %shift_right_logical3A_193 : vector<2048x32xi32>
    %or3A_195 = arith.ori %shift_left3A_191, %shift_right_logical3A_194 : vector<2048x32xi32>
    %xor3A_196 = arith.xori %or3A_195, %add3A_188 : vector<2048x32xi32>
    %add3A_197 = arith.addi %add3A_188, %xor3A_196 : vector<2048x32xi32>
    %shift_left3A_198 = arith.constant 15 : i32
    %shift_left3A_199 = vector.broadcast %shift_left3A_198 : i32 to vector<2048x32xi32>
    %shift_left3A_200 = arith.shli %xor3A_196, %shift_left3A_199 : vector<2048x32xi32>
    %shift_right_logical3A_201 = arith.constant 17 : i32
    %shift_right_logical3A_202 = vector.broadcast %shift_right_logical3A_201 : i32 to vector<2048x32xi32>
    %shift_right_logical3A_203 = arith.shrui %xor3A_196, %shift_right_logical3A_202 : vector<2048x32xi32>
    %or3A_204 = arith.ori %shift_left3A_200, %shift_right_logical3A_203 : vector<2048x32xi32>
    %xor3A_205 = arith.xori %or3A_204, %add3A_197 : vector<2048x32xi32>
    %add3A_206 = arith.addi %add3A_197, %xor3A_205 : vector<2048x32xi32>
    %shift_left3A_207 = arith.constant 26 : i32
    %shift_left3A_208 = vector.broadcast %shift_left3A_207 : i32 to vector<2048x32xi32>
    %shift_left3A_209 = arith.shli %xor3A_205, %shift_left3A_208 : vector<2048x32xi32>
    %shift_right_logical3A_210 = arith.constant 6 : i32
    %shift_right_logical3A_211 = vector.broadcast %shift_right_logical3A_210 : i32 to vector<2048x32xi32>
    %shift_right_logical3A_212 = arith.shrui %xor3A_205, %shift_right_logical3A_211 : vector<2048x32xi32>
    %or3A_213 = arith.ori %shift_left3A_209, %shift_right_logical3A_212 : vector<2048x32xi32>
    %xor3A_214 = arith.xori %or3A_213, %add3A_206 : vector<2048x32xi32>
    %add3A_215 = arith.addi %add3A_206, %xor3A_214 : vector<2048x32xi32>
    %shift_left3A_216 = arith.constant 6 : i32
    %shift_left3A_217 = vector.broadcast %shift_left3A_216 : i32 to vector<2048x32xi32>
    %shift_left3A_218 = arith.shli %xor3A_214, %shift_left3A_217 : vector<2048x32xi32>
    %shift_right_logical3A_219 = arith.constant 26 : i32
    %shift_right_logical3A_220 = vector.broadcast %shift_right_logical3A_219 : i32 to vector<2048x32xi32>
    %shift_right_logical3A_221 = arith.shrui %xor3A_214, %shift_right_logical3A_220 : vector<2048x32xi32>
    %or3A_222 = arith.ori %shift_left3A_218, %shift_right_logical3A_221 : vector<2048x32xi32>
    %xor3A_223 = arith.xori %or3A_222, %add3A_215 : vector<2048x32xi32>
    %add3A_224 = arith.constant 466688987 : i32
    %add3A_225 = vector.broadcast %add3A_224 : i32 to vector<2048x32xi32>
    %add3A_226 = arith.addi %add3A_215, %add3A_225 : vector<2048x32xi32>
    %add3A_227 = arith.constant 0 : i32
    %add3A_228 = vector.broadcast %add3A_227 : i32 to vector<2048x32xi32>
    %add3A_229 = arith.addi %xor3A_223, %add3A_228 : vector<2048x32xi32>
    %add3A_230 = arith.constant 5 : i32
    %add3A_231 = vector.broadcast %add3A_230 : i32 to vector<2048x32xi32>
    %add3A_232 = arith.addi %add3A_229, %add3A_231 : vector<2048x32xi32>
    %xor3A_233 = arith.xori %add3A_226, %add3A_232 : vector<2048x32xi32>
    %shift_right_logical3A_234 = arith.constant 9 : i32
    %shift_right_logical3A_235 = vector.broadcast %shift_right_logical3A_234 : i32 to vector<2048x32xi32>
    %shift_right_logical3A_236 = arith.shrui %xor3A_233, %shift_right_logical3A_235 : vector<2048x32xi32>
    %or3A_237 = arith.constant 1065353216 : i32
    %or3A_238 = vector.broadcast %or3A_237 : i32 to vector<2048x32xi32>
    %or3A_239 = arith.ori %shift_right_logical3A_236, %or3A_238 : vector<2048x32xi32>
    %bitcast_convert_type3A = tpu.bitcast %or3A_239 : vector<2048x32xi32> -> vector<2048x32xf32>
    %sub3A = arith.constant 1.000000e+00 : f32
    %sub3A_240 = vector.broadcast %sub3A : f32 to vector<2048x32xf32>
    %sub3A_241 = arith.subf %bitcast_convert_type3A, %sub3A_240 : vector<2048x32xf32>
    %mul3A_242 = arith.constant 2.000000e+00 : f32
    %mul3A_243 = vector.broadcast %mul3A_242 : f32 to vector<2048x32xf32>
    %mul3A_244 = arith.mulf %sub3A_241, %mul3A_243 : vector<2048x32xf32>
    %add3A_245 = arith.constant -0.99999994 : f32
    %add3A_246 = vector.broadcast %add3A_245 : f32 to vector<2048x32xf32>
    %add3A_247 = arith.addf %mul3A_244, %add3A_246 : vector<2048x32xf32>
    %max3A = arith.constant -0.99999994 : f32
    %max3A_248 = vector.broadcast %max3A : f32 to vector<2048x32xf32>
    %max3A_249 = arith.maximumf %add3A_247, %max3A_248 : vector<2048x32xf32>
    %erf_inv3A = arith.constant 0.000000e+00 : f32
    %erf_inv3A_250 = vector.broadcast %erf_inv3A : f32 to vector<2048x32xf32>
    %erf_inv3A_251 = arith.subf %erf_inv3A_250, %max3A_249 : vector<2048x32xf32>
    %erf_inv3A_252 = arith.mulf %max3A_249, %erf_inv3A_251 : vector<2048x32xf32>
    %erf_inv3A_253 = math.log1p %erf_inv3A_252 : vector<2048x32xf32>
    %erf_inv3A_254 = arith.constant 0.000000e+00 : f32
    %erf_inv3A_255 = vector.broadcast %erf_inv3A_254 : f32 to vector<2048x32xf32>
    %erf_inv3A_256 = arith.subf %erf_inv3A_255, %erf_inv3A_253 : vector<2048x32xf32>
    %erf_inv3A_257 = arith.constant 5.000000e+00 : f32
    %erf_inv3A_258 = vector.broadcast %erf_inv3A_257 : f32 to vector<2048x32xf32>
    %erf_inv3A_259 = arith.cmpf olt, %erf_inv3A_256, %erf_inv3A_258 : vector<2048x32xf32>
    %erf_inv3A_260 = arith.constant 2.500000e+00 : f32
    %erf_inv3A_261 = vector.broadcast %erf_inv3A_260 : f32 to vector<2048x32xf32>
    %erf_inv3A_262 = arith.subf %erf_inv3A_256, %erf_inv3A_261 : vector<2048x32xf32>
    %erf_inv3A_263 = math.sqrt %erf_inv3A_256 : vector<2048x32xf32>
    %erf_inv3A_264 = arith.constant 3.000000e+00 : f32
    %erf_inv3A_265 = vector.broadcast %erf_inv3A_264 : f32 to vector<2048x32xf32>
    %erf_inv3A_266 = arith.subf %erf_inv3A_263, %erf_inv3A_265 : vector<2048x32xf32>
    %erf_inv3A_267 = arith.select %erf_inv3A_259, %erf_inv3A_262, %erf_inv3A_266 : vector<2048x32xi1>, vector<2048x32xf32>
    %erf_inv3A_268 = arith.constant 2.81022636E-8 : f32
    %erf_inv3A_269 = arith.constant -2.00214257E-4 : f32
    %erf_inv3A_270 = vector.broadcast %erf_inv3A_268 : f32 to vector<2048x32xf32>
    %erf_inv3A_271 = vector.broadcast %erf_inv3A_269 : f32 to vector<2048x32xf32>
    %erf_inv3A_272 = arith.select %erf_inv3A_259, %erf_inv3A_270, %erf_inv3A_271 : vector<2048x32xi1>, vector<2048x32xf32>
    %erf_inv3A_273 = arith.constant 3.43273939E-7 : f32
    %erf_inv3A_274 = arith.constant 1.00950558E-4 : f32
    %erf_inv3A_275 = vector.broadcast %erf_inv3A_273 : f32 to vector<2048x32xf32>
    %erf_inv3A_276 = vector.broadcast %erf_inv3A_274 : f32 to vector<2048x32xf32>
    %erf_inv3A_277 = arith.select %erf_inv3A_259, %erf_inv3A_275, %erf_inv3A_276 : vector<2048x32xi1>, vector<2048x32xf32>
    %erf_inv3A_278 = arith.mulf %erf_inv3A_272, %erf_inv3A_267 : vector<2048x32xf32>
    %erf_inv3A_279 = arith.addf %erf_inv3A_277, %erf_inv3A_278 : vector<2048x32xf32>
    %erf_inv3A_280 = arith.constant -3.5233877E-6 : f32
    %erf_inv3A_281 = arith.constant 0.00134934322 : f32
    %erf_inv3A_282 = vector.broadcast %erf_inv3A_280 : f32 to vector<2048x32xf32>
    %erf_inv3A_283 = vector.broadcast %erf_inv3A_281 : f32 to vector<2048x32xf32>
    %erf_inv3A_284 = arith.select %erf_inv3A_259, %erf_inv3A_282, %erf_inv3A_283 : vector<2048x32xi1>, vector<2048x32xf32>
    %erf_inv3A_285 = arith.mulf %erf_inv3A_279, %erf_inv3A_267 : vector<2048x32xf32>
    %erf_inv3A_286 = arith.addf %erf_inv3A_284, %erf_inv3A_285 : vector<2048x32xf32>
    %erf_inv3A_287 = arith.constant -4.39150654E-6 : f32
    %erf_inv3A_288 = arith.constant -0.00367342844 : f32
    %erf_inv3A_289 = vector.broadcast %erf_inv3A_287 : f32 to vector<2048x32xf32>
    %erf_inv3A_290 = vector.broadcast %erf_inv3A_288 : f32 to vector<2048x32xf32>
    %erf_inv3A_291 = arith.select %erf_inv3A_259, %erf_inv3A_289, %erf_inv3A_290 : vector<2048x32xi1>, vector<2048x32xf32>
    %erf_inv3A_292 = arith.mulf %erf_inv3A_286, %erf_inv3A_267 : vector<2048x32xf32>
    %erf_inv3A_293 = arith.addf %erf_inv3A_291, %erf_inv3A_292 : vector<2048x32xf32>
    %erf_inv3A_294 = arith.constant 2.1858087E-4 : f32
    %erf_inv3A_295 = arith.constant 0.00573950773 : f32
    %erf_inv3A_296 = vector.broadcast %erf_inv3A_294 : f32 to vector<2048x32xf32>
    %erf_inv3A_297 = vector.broadcast %erf_inv3A_295 : f32 to vector<2048x32xf32>
    %erf_inv3A_298 = arith.select %erf_inv3A_259, %erf_inv3A_296, %erf_inv3A_297 : vector<2048x32xi1>, vector<2048x32xf32>
    %erf_inv3A_299 = arith.mulf %erf_inv3A_293, %erf_inv3A_267 : vector<2048x32xf32>
    %erf_inv3A_300 = arith.addf %erf_inv3A_298, %erf_inv3A_299 : vector<2048x32xf32>
    %erf_inv3A_301 = arith.constant -0.00125372503 : f32
    %erf_inv3A_302 = arith.constant -0.0076224613 : f32
    %erf_inv3A_303 = vector.broadcast %erf_inv3A_301 : f32 to vector<2048x32xf32>
    %erf_inv3A_304 = vector.broadcast %erf_inv3A_302 : f32 to vector<2048x32xf32>
    %erf_inv3A_305 = arith.select %erf_inv3A_259, %erf_inv3A_303, %erf_inv3A_304 : vector<2048x32xi1>, vector<2048x32xf32>
    %erf_inv3A_306 = arith.mulf %erf_inv3A_300, %erf_inv3A_267 : vector<2048x32xf32>
    %erf_inv3A_307 = arith.addf %erf_inv3A_305, %erf_inv3A_306 : vector<2048x32xf32>
    %erf_inv3A_308 = arith.constant -0.00417768164 : f32
    %erf_inv3A_309 = arith.constant 0.00943887047 : f32
    %erf_inv3A_310 = vector.broadcast %erf_inv3A_308 : f32 to vector<2048x32xf32>
    %erf_inv3A_311 = vector.broadcast %erf_inv3A_309 : f32 to vector<2048x32xf32>
    %erf_inv3A_312 = arith.select %erf_inv3A_259, %erf_inv3A_310, %erf_inv3A_311 : vector<2048x32xi1>, vector<2048x32xf32>
    %erf_inv3A_313 = arith.mulf %erf_inv3A_307, %erf_inv3A_267 : vector<2048x32xf32>
    %erf_inv3A_314 = arith.addf %erf_inv3A_312, %erf_inv3A_313 : vector<2048x32xf32>
    %erf_inv3A_315 = arith.constant 0.246640727 : f32
    %erf_inv3A_316 = arith.constant 1.00167406 : f32
    %erf_inv3A_317 = vector.broadcast %erf_inv3A_315 : f32 to vector<2048x32xf32>
    %erf_inv3A_318 = vector.broadcast %erf_inv3A_316 : f32 to vector<2048x32xf32>
    %erf_inv3A_319 = arith.select %erf_inv3A_259, %erf_inv3A_317, %erf_inv3A_318 : vector<2048x32xi1>, vector<2048x32xf32>
    %erf_inv3A_320 = arith.mulf %erf_inv3A_314, %erf_inv3A_267 : vector<2048x32xf32>
    %erf_inv3A_321 = arith.addf %erf_inv3A_319, %erf_inv3A_320 : vector<2048x32xf32>
    %erf_inv3A_322 = arith.constant 1.50140941 : f32
    %erf_inv3A_323 = arith.constant 2.83297682 : f32
    %erf_inv3A_324 = vector.broadcast %erf_inv3A_322 : f32 to vector<2048x32xf32>
    %erf_inv3A_325 = vector.broadcast %erf_inv3A_323 : f32 to vector<2048x32xf32>
    %erf_inv3A_326 = arith.select %erf_inv3A_259, %erf_inv3A_324, %erf_inv3A_325 : vector<2048x32xi1>, vector<2048x32xf32>
    %erf_inv3A_327 = arith.mulf %erf_inv3A_321, %erf_inv3A_267 : vector<2048x32xf32>
    %erf_inv3A_328 = arith.addf %erf_inv3A_326, %erf_inv3A_327 : vector<2048x32xf32>
    %erf_inv3A_329 = math.absf %max3A_249 : vector<2048x32xf32>
    %erf_inv3A_330 = arith.constant 1.000000e+00 : f32
    %erf_inv3A_331 = vector.broadcast %erf_inv3A_330 : f32 to vector<2048x32xf32>
    %erf_inv3A_332 = arith.cmpf oeq, %erf_inv3A_329, %erf_inv3A_331 : vector<2048x32xf32>
    %erf_inv3A_333 = arith.constant 0x7F800000 : f32
    %erf_inv3A_334 = vector.broadcast %erf_inv3A_333 : f32 to vector<2048x32xf32>
    %erf_inv3A_335 = arith.mulf %erf_inv3A_334, %max3A_249 : vector<2048x32xf32>
    %erf_inv3A_336 = arith.mulf %erf_inv3A_328, %max3A_249 : vector<2048x32xf32>
    %erf_inv3A_337 = arith.select %erf_inv3A_332, %erf_inv3A_335, %erf_inv3A_336 : vector<2048x32xi1>, vector<2048x32xf32>
    %mul3A_338 = arith.constant 1.41421354 : f32
    %mul3A_339 = vector.broadcast %mul3A_338 : f32 to vector<2048x32xf32>
    %mul3A_340 = arith.mulf %mul3A_339, %erf_inv3A_337 : vector<2048x32xf32>
    %get3A_341 = arith.constant 0 : index
    %get3A_342 = arith.constant 0 : index
    %get3A_343 = vector.load %arg2[%get3A_341, %get3A_342] : memref<2048x64xf32, #tpu.memory_space<vmem>>, vector<2048x32xf32>
    %get3A_344 = arith.constant 0 : index
    %get3A_345 = arith.constant 32 : index
    %get3A_346 = vector.load %arg2[%get3A_344, %get3A_345] : memref<2048x64xf32, #tpu.memory_space<vmem>>, vector<2048x32xf32>
    %mul3A_347 = arith.constant 5.000000e-01 : f32
    %mul3A_348 = vector.broadcast %mul3A_347 : f32 to vector<2048x32xf32>
    %mul3A_349 = arith.mulf %get3A_346, %mul3A_348 : vector<2048x32xf32>
    %exp3A = math.exp %mul3A_349 : vector<2048x32xf32>
    %mul3A_350 = arith.mulf %exp3A, %mul3A_340 : vector<2048x32xf32>
    %add3A_351 = arith.addf %get3A_343, %mul3A_350 : vector<2048x32xf32>
    %swap3A = arith.constant 0 : index
    %swap3A_352 = arith.constant 0 : index
    %swap3A_353 = vector.load %arg3[%swap3A, %swap3A_352] : memref<2048x32xf32, #tpu.memory_space<vmem>>, vector<2048x32xf32>
    tpu.vector_store %arg3[%swap3A, %swap3A_352], %add3A_351 {strides = array<i32>} : memref<2048x32xf32, #tpu.memory_space<vmem>>, vector<2048x32xf32>,
    %swap3A_354 = arith.constant 0 : index
    %swap3A_355 = arith.constant 0 : index
    %swap3A_356 = vector.load %arg4[%swap3A_354, %swap3A_355] : memref<2048x32xf32, #tpu.memory_space<vmem>>, vector<2048x32xf32>
    tpu.vector_store %arg4[%swap3A_354, %swap3A_355], %get3A_343 {strides = array<i32>} : memref<2048x32xf32, #tpu.memory_space<vmem>>, vector<2048x32xf32>,
    %swap3A_357 = arith.constant 0 : index
    %swap3A_358 = arith.constant 0 : index
    %swap3A_359 = vector.load %arg5[%swap3A_357, %swap3A_358] : memref<2048x32xf32, #tpu.memory_space<vmem>>, vector<2048x32xf32>
    tpu.vector_store %arg5[%swap3A_357, %swap3A_358], %get3A_346 {strides = array<i32>} : memref<2048x32xf32, #tpu.memory_space<vmem>>, vector<2048x32xf32>,
    return
  }
  func.func @transform_0(%arg0: i32) -> (i32, i32) {
    %c0_i32 = arith.constant 0 : i32
    %c0_i32_0 = arith.constant 0 : i32
    return %arg0, %c0_i32 : i32, i32
  }
  func.func @transform_1(%arg0: i32) -> (i32, i32) {
    %c0_i32 = arith.constant 0 : i32
    %c0_i32_0 = arith.constant 0 : i32
    return %arg0, %c0_i32 : i32, i32
  }
  func.func @transform_2(%arg0: i32) -> (i32, i32) {
    %c0_i32 = arith.constant 0 : i32
    %c0_i32_0 = arith.constant 0 : i32
    return %arg0, %c0_i32 : i32, i32
  }
  func.func @transform_3(%arg0: i32) -> (i32, i32) {
    %c0_i32 = arith.constant 0 : i32
    %c0_i32_0 = arith.constant 0 : i32
    return %arg0, %c0_i32 : i32, i32
  }
  func.func @transform_4(%arg0: i32) -> (i32, i32) {
    %c0_i32 = arith.constant 0 : i32
    %c0_i32_0 = arith.constant 0 : i32
    return %arg0, %c0_i32 : i32, i32
  }
}

</mosaic_0001>

<sc_bundles>
// kernel: kernel.5.cloned.1.call-start
scs
__scs_entry_jumppad:
0x0: {  	(pc) =	sbr.rel $0x88, $3  }
0x1: {  	(tag) =	ssettag $0x0;
	lr =	simm.s32 $0x1  }
0x2: {  	[smem:$0x3F9F] =	sst lr;
	_ =	strace $0xD0000000  }
0x3: {  	_ = 	snop  }
0x4: {  	_ = 	snop  }
0x5: {  	_ = 	snop  }
0x6: {  	_ = 	snop  }
0x7: {  	_ = 	snop  }
__scs_overlays_trampoline_lowered:
0x8: {  	[smem:$0x3FAE] =	sst s0  }
0x9: {  	[smem:$0x3FAF] =	sst s1  }
0xa: {  	[smem:$0x3FB0] =	sst s2  }
0xb: {  	[smem:$0x3FB1] =	sst s3  }
0xc: {  	[smem:$0x3FB2] =	sst s4  }
0xd: {  	[smem:$0x3FB3] =	sst s5  }
0xe: {  	[smem:$0x3FB4] =	sst s6  }
0xf: {  	[smem:$0x3FB5] =	sst s7  }
0x10: {  	[smem:$0x3FB6] =	sst s8  }
0x11: {  	[smem:$0x3FB7] =	sst s9;
	s0 =	simm.s32 @!p0 $0x0  }
0x12: {  	s1 =	sld [smem:$0x3F9D];
	s0 =	simm.s32 @p0 $0x1  }
0x13: {  	[smem:$0x3FB8] =	sst s0;
	s0 =	simm.s32 @!p1 $0x0  }
0x14: {  	s2 =	sld [smem:$0x3F9C];
	s0 =	simm.s32 @p1 $0x1  }
0x15: {  	[smem:$0x3FB9] =	sst s0;
	s0 =	simm.s32 @!p2 $0x0  }
0x16: {  	s3 =	sld [smem:$0x3FDB];
	s0 =	simm.s32 @p2 $0x1  }
0x17: {  	s4 =	simm.s32 $0x1BF5;
	[smem:$0x3FBB] =	sst s0  }
0x18: {  	s0 =	sld [smem:$0x3F9E];
	_ =	swait.ge [sflag:s4], $0x0  }
0x19: {  	s7 =	sld [smem:$0x3F9F]  }
0x1a: {  	s8 =	sadd.s32 $0xFFFFE003, lr  }
0x1b: {  	s9 =	sadd.s32 $0xFFFFFEF7, lr;
	s5 =	simm.s32 $0xFFFFFFFF;
	p2 =	slt.u32 s8, $0xFFFFF086  }
0x1c: {  	p1 =	slt.u32 s9, $0xF7A;
	s5 =	simm.s32 @!p2 $0x0  }
0x1d: {  	s5 =	simm.s32 @p1 $0x1;
	p0 =	seq.s32 s7, s2  }
0x1e: {  	s7 =	smul.u32 @!p0 $0xF7A, s2;
	p2 =	seq.s32 @!p0 s5, $0x0  }
0x1f: {  	s9 =	smul.u32 $0xF7A, s1;
	s8 =	simm.s32 @!p0 $0x1BF5;
	p2 =	por !p2, p0  }
0x20: {  	[sflag:s8] =	ssyncset.s32 @!p0 $0xFFFFF086;
	s6 =	sadd.s32 @!p0 s3, s7;
	s7 =	simm.s32 @!p0 $0x108  }
0x21: {  	s3 =	sadd.s32 s3, s9;
	s6 =	sadd.s32 @!p0 $0x88, s6;
	s7 =	simm.s32 @p2 $0x1082  }
0x22: {  	[simem:s7], [sflag:s8] =	dma.local @!p0 [hbm:s6], $0xF7A  }
0x23: {  	s9 =	sor.u32 $0xD0000000, s2;
	s6 =	simm.s32 $0x108;
	_ =	swait.ge @!p0 [sflag:s8], $0x0  }
0x24: {  	s3 =	sadd.s32 $0x88, s3;
	s6 =	simm.s32 @!p1 $0x1082;
	[sflag:s4] =	ssyncset.s32 $0xFFFFF086  }
0x25: {  	[simem:s6], [sflag:s4] =	dma.local [hbm:s3], $0xF7A  }
0x26: {  	[smem:$0x3F9F] =	sst s1;
	(tag) =	ssettag s2;
	_ =	strace s9  }
0x27: {  	s1 =	sld [smem:$0x3FAF]  }
0x28: {  	s2 =	sld [smem:$0x3FB0]  }
0x29: {  	s4 =	sld [smem:$0x3FB2]  }
0x2a: {  	p0 =	seq.s32 s5, $0x0;
	s5 =	sld [smem:$0x3FB3]  }
0x2b: {  	s6 =	sld [smem:$0x3FB4]  }
0x2c: {  	s7 =	sld [smem:$0x3FB5]  }
0x2d: {  	s3 =	simm.s32 $0x108;
	s8 =	sld [smem:$0x3FB6]  }
0x2e: {  	s3 =	simm.s32 @!p0 $0x1082;
	s9 =	sld [smem:$0x3FB7]  }
0x2f: {  	lr =	sadd.s32 s0, s3;
	s0 =	sld [smem:$0x3FAE]  }
0x30: {  	s3 =	sld [smem:$0x3FB1]  }
0x31: {  	[smem:$0x3FBA] =	sst s10  }
0x32: {  	s10 =	sld [smem:$0x3FB8];
	_ =	sdelay $0x3  }
0x33: {  	p0 =	seq.s32 s10, $0x1;
	s10 =	sld [smem:$0x3FBA];
	_ =	sdelay $0x3  }
0x34: {  	[smem:$0x3FBA] =	sst s10  }
0x35: {  	s10 =	sld [smem:$0x3FB9];
	_ =	sdelay $0x3  }
0x36: {  	p1 =	seq.s32 s10, $0x1;
	s10 =	sld [smem:$0x3FBA];
	_ =	sdelay $0x3  }
0x37: {  	[smem:$0x3FBA] =	sst s10  }
0x38: {  	s10 =	sld [smem:$0x3FBB]  }
0x39: {  	_ = 	snop;
	(pc) =	sbr.ind lr, $3  }
0x3a: {  	_ = 	snop  }
0x3b: {  	_ = 	snop  }
0x3c: {  	p2 =	seq.s32 s10, $0x1;
	s10 =	sld [smem:$0x3FBA]  }
0x3d: {  	_ =	shalt  }
0x3e: {  	_ =	shalt  }
0x3f: {  	_ =	shalt  }
0x40: {  	_ =	shalt  }
0x41: {  	_ =	shalt  }
0x42: {  	_ =	shalt  }
0x43: {  	_ =	shalt  }
0x44: {  	_ =	shalt  }
0x45: {  	_ =	shalt  }
0x46: {  	_ =	shalt  }
0x47: {  	_ =	shalt  }
0x48: {  	_ =	shalt  }
0x49: {  	_ =	shalt  }
0x4a: {  	_ =	shalt  }
0x4b: {  	_ =	shalt  }
0x4c: {  	_ =	shalt  }
0x4d: {  	_ =	shalt  }
0x4e: {  	_ =	shalt  }
0x4f: {  	_ =	shalt  }
0x50: {  	_ =	shalt  }
0x51: {  	_ =	shalt  }
0x52: {  	_ =	shalt  }
0x53: {  	_ =	shalt  }
0x54: {  	_ =	shalt  }
0x55: {  	_ =	shalt  }
0x56: {  	_ =	shalt  }
0x57: {  	_ =	shalt  }
0x58: {  	_ =	shalt  }
0x59: {  	_ =	shalt  }
0x5a: {  	_ =	shalt  }
0x5b: {  	_ =	shalt  }
0x5c: {  	_ =	shalt  }
0x5d: {  	_ =	shalt  }
0x5e: {  	_ =	shalt  }
0x5f: {  	_ =	shalt  }
0x60: {  	_ =	shalt  }
0x61: {  	_ =	shalt  }
0x62: {  	_ =	shalt  }
0x63: {  	_ =	shalt  }
0x64: {  	_ =	shalt  }
0x65: {  	_ =	shalt  }
0x66: {  	_ =	shalt  }
0x67: {  	_ =	shalt  }
0x68: {  	_ =	shalt  }
0x69: {  	_ =	shalt  }
0x6a: {  	_ =	shalt  }
0x6b: {  	_ =	shalt  }
0x6c: {  	_ =	shalt  }
0x6d: {  	_ =	shalt  }
0x6e: {  	_ =	shalt  }
0x6f: {  	_ =	shalt  }
0x70: {  	_ =	shalt  }
0x71: {  	_ =	shalt  }
0x72: {  	_ =	shalt  }
0x73: {  	_ =	shalt  }
0x74: {  	_ =	shalt  }
0x75: {  	_ =	shalt  }
0x76: {  	_ =	shalt  }
0x77: {  	_ =	shalt  }
0x78: {  	_ =	shalt  }
0x79: {  	_ =	shalt  }
0x7a: {  	_ =	shalt  }
0x7b: {  	_ =	shalt  }
0x7c: {  	_ =	shalt  }
0x7d: {  	_ =	shalt  }
0x7e: {  	_ =	shalt  }
0x7f: {  	_ =	shalt  }
0x80: {  	_ =	shalt  }
0x81: {  	_ =	shalt  }
0x82: {  	_ =	shalt  }
0x83: {  	_ =	shalt  }
0x84: {  	_ =	shalt  }
0x85: {  	_ =	shalt  }
0x86: {  	_ =	shalt  }
0x87: {  	_ =	shalt  }
.Lfunc_end0:
.L_simem_size_0:
called_computation_lowered:
.L_overlay_start_0:
0x88: {  	s2 =	sld [smem:$0x3FD9]  }
0x89: {  	s3 =	sld [smem:$0x3FFE];
	_ =	sdelay $0x1  }
0x8a: {  	s1 =	srdreg.scid  }
0x8b: {  	s0 =	sand.u32 $0x1, s1  }
0x8c: {  	s17 =	sshll.u32 s0, $0xA;
	s2 =	sadd.s32 s3, s2  }
0x8d: {  	s2 =	sadd.s32 s2, s17  }
0x8e: {  	[smem:$0x3FC6] =	sst s2  }
0x8f: {  	_ = 	snop  }
0x90: {  	s2 =	sld [smem:$0x3FC9];
	(tm) =	ssettm $0x1  }
0x91: {  	s18 =	sld [smem:$0x3FFB];
	_ =	sdelay $0x3  }
0x92: {  	_ =	strace s18  }
0x93: {  	s3 =	sld [smem:$0x3FFC];
	_ =	sdelay $0x3  }
0x94: {  	_ =	strace s3  }
0x95: {  	s3 =	sld [smem:$0x3FFD];
	_ =	sdelay $0x3  }
0x96: {  	_ =	strace s3  }
0x97: {  	_ =	strace $0x8FFFFFFF  }
0x98: {  	s19 =	sld [smem:$0x3FDB];
	_ =	sdelay $0x1  }
0x99: {  	s4 =	simm.s32 $_scs_section_size  }
0x9a: {  	s5 =	simm.s32 $_size__tile_overlayer_lowered;
	s6 =	simm.s32 $_tile_overlayer_lowered  }
0x9b: {  	s22 =	simm.s32 $0x1BFF;
	s21 =	sshll.u32 s6, $0x1;
	s3 =	sadd.s32 s4, s19  }
0x9c: {  	s7 =	simm.s32 $0x0;
	s20 =	sshll.u32 s5, $0x1;
	s5 =	sadd.s32 s21, s3  }
0x9d: {  	[timem:s7], [sflag:s22] =	dma.local [hbm:s5], s20  }
0x9e: {  	_ =	swait.ge [sflag:s22], s20  }
0x9f: {  	s4 =	ssub.s32 $0x0, s20;
	[sflag:s22] =	ssyncset.done $0x0  }
0xa0: {  	[sflag:s22] =	ssyncadd.s32 s4;
	_ =	sdelay $0x1  }
0xa1: {  	s23 =	simm.s32 $0x1B8B  }
0xa2: {  	_ =	swait.ge [sflag:s23], $0x1  }
0xa3: {  	[sflag:s23] =	ssyncset.done $0x0  }
0xa4: {  	s25 =	simm.s32 $0x1B8E;
	s24 =	sld [smem:$0x3FFE];
	[sflag:s23] =	ssyncadd.s32 $0xFFFFFFFF  }
0xa5: {  	s26 =	simm.s32 $execute0_lowered;
	[smem:$0x3FD2] =	sst s25  }
0xa6: {  	s5 =	sshll.u32 s26, $0x1;
	_ =	strace $0x80000046;
	[dreg:$0x1] =	wrdreg $0xFFFFFFFF  }
0xa7: {  	s28 =	simm.s32 $_size_execute0_lowered;
	s3 =	sadd.s32 s3, s5;
	[dreg:$0x0] =	wrdreg $0x0  }
0xa8: {  	s5 =	sshll.u32 s28, $0x1;
	[dreg:$0x2] =	wrdreg s3  }
0xa9: {  	[dreg:$0x3] =	wrdreg s5  }
0xaa: {  	[dreg:$0x4] =	wrdreg $0xC0  }
0xab: {  	_ =	task [dreg:s7], $0x5FFFF  }
0xac: {  	[dreg:$0x1] =	wrdreg $0xFFFFFFFF  }
0xad: {  	[dreg:$0x0] =	wrdreg $0x60  }
0xae: {  	[dreg:$0x2] =	wrdreg s2  }
0xaf: {  	[dreg:$0x3] =	wrdreg s24  }
0xb0: {  	[dreg:$0x4] =	wrdreg $0x9  }
0xb1: {  	_ =	task.clear_ibuf [dreg:s7], $0x5FFFF;
	_ =	strace $0x90000046  }
0xb2: {  	s29 =	simm.s32 $0x9;
	_ =	strace $0x80000048  }
0xb3: {  	_ =	swait.ge [sflag:s29], $0x1  }
0xb4: {  	[sflag:s29] =	ssyncadd.s32 $0xFFFFFFFF  }
0xb5: {  	_ =	strace $0x90000048  }
0xb6: {  	_ =	sfence  }
0xb7: {  	s30 =	sld [smem:$0x0];
	_ =	sdelay $0x2  }
0xb8: {  	s31 =	sshll.u32 s1, $0xD;
	s1 =	sshrl.u32 s1, $0x2  }
0xb9: {  	s3 =	sand.u32 $0x4000, s31;
	s1 =	sadd.s32 s1, s30  }
0xba: {  	s0 =	sor.u32 s3, s0;
	s1 =	sshll.u32 s1, $0x11  }
0xbb: {  	s0 =	sor.u32 s1, s0  }
0xbc: {  	s0 =	sadd.s32 $0x8F2B, s0  }
0xbd: {  	[sflag:s0] =	ssyncadd.remote.s32 $0x1  }
0xbe: {  	_ =	sfence.sel $0xFFFF  }
0xbf: {  	[dreg:$0x0] =	wrdreg $0xFFFFFFFF;
	(pc) =	sbr.abs _section_cstart, $3  }
0xc0: {  	[dreg:$0x1] =	wrdreg $0xFFFFFFFF  }
0xc1: {  	_ =	task.clear_ibuf [dreg:s7], $0x2FFFF;
	_ =	strace $0x9FFFFFFF  }
0xc2: {  	(tm) =	ssettm $0x7FFFFFFF  }
0xc3: {  	_ =	shalt  }
tec
execute0_lowered:
.L_overlay_start_1:
0x0: {  	(tag) =	ssettag $0x1  }
0x1: {  	s4 =	rddreg [dreg:$0x0]  }
0x2: {  	s5 =	rddreg [dreg:$0x1]  }
0x3: {  	s0 =	rddreg [dreg:$0x2];
	s2 =	simm.s32 $0x0;
	s3 =	srdreg.scid  }
0x4: {  	s1 =	stileid.u32;
	s10 =	simm.s32 $0x3;
	s11 =	simm.s32 $0x4  }
0x5: {  	s12 =	simm.s32 $0x200;
	s13 =	simm.s32 $0x0;
	s6 =	sand.u32 $0x1, s3  }
0x6: {  	[smem:$0x7FF] =	sst s2;
	s7 =	sshll.u32 s1, $0xA;
	s8 =	sshll.u32 s6, $0x9  }
0x7: {  	s3 =	sadd.s32 $0x1000, s5;
	s6 =	ssub.s32 $0x2, s6;
	s7 =	sor.u32 s8, s7  }
0x8: {  	_ =	strace $0x80000047;
	s9 =	sshrl.u32 s6, $0x1;
	s8 =	sshll.u32 s7, $0x4  }
0x9: {  	s7 =	sshrl.u32 s7, $0x3;
	s6 =	ssub.s32 s6, s9;
	s9 =	simm.s32 $0x2  }
0xa: {  	s5 =	sadd.s32 s8, s5;
	s4 =	sadd.s32 s4, s7;
	s6 =	smax.u32 s6, $0x1  }
0xb: {  	s7 =	simm.s32 $0x5;
	s8 =	simm.s32 $0x1;
	s5 =	sadd.s32 $0xF43400, s5  }
.LBB2_1:
0xc: {  	[tilespmem:s2], [sflag:$0x5] =	stream.linear.gather [hbm4b:s4+s2], $0x200, $0x38;
	[tilespmem:$0x10200] =	vst v63  }
0xd: {  	_ =	swait.ge [sflag:s7], $0x200  }
0xe: {  	s14 =	simm.s32 $0x0;
	[sflag:s7] =	ssyncset.done $0x0  }
0xf: {  	s15 =	simm.s32 $0x0;
	s16 =	simm.s32 $0x0;
	[sflag:s7] =	ssyncadd.s32 $0xFFFFFE00  }
.LBB2_2:
0x10: {  	p0 =	sgt.u32 s16, $0x1F  }
0x11: {  	v0 =	vld @!p0 [tilespmem:s15+$0x0];
	_ =	sdelay $0x4  }
0x12: {  	v0 =	vshll.u32 @!p0 v0, $0x4  }
0x13: {  	(v2sf) =	vpush @!p0 v0, $0x0;
	_ =	sdelay $0x3  }
0x14: {  	(v2sf) =	vpush @!p0 v0, $0x1;
	_ =	sdelay $0x3  }
0x15: {  	(v2sf) =	vpush @!p0 v0, $0x2;
	_ =	sdelay $0x3  }
0x16: {  	(v2sf) =	vpush @!p0 v0, $0x3;
	_ =	sdelay $0x2  }
0x17: {  	s18 =	spop @!p0 (v2sf)  }
0x18: {  	s17 =	sshra.s32 @!p0 s14, $0x2;
	(v2sf) =	vpush @!p0 v0, $0x4;
	s18 =	sand.u32 @!p0 $0x1FFFFFF0, s18  }
0x19: {  	s19 =	sadd.s32 @!p0 $0x200, s17;
	s20 =	sadd.s32 @!p0 s3, s18;
	s18 =	simm.s32 @!p0 $0x0  }
0x1a: {  	[tilespmem:s19], [sflag:$0x1] =	stream.linear.gather @!p0 [hbm4b:s20+s18], $0x80, $0x38;
	[tilespmem:$0x10200] =	vst v63  }
0x1b: {  	s19 =	spop @!p0 (v2sf)  }
0x1c: {  	(v2sf) =	vpush @!p0 v0, $0x5;
	s19 =	sand.u32 @!p0 $0x1FFFFFF0, s19  }
0x1d: {  	s20 =	sadd.s32 @!p0 $0x280, s17;
	s19 =	sadd.s32 @!p0 s3, s19  }
0x1e: {  	[tilespmem:s20], [sflag:$0x2] =	stream.linear.gather @!p0 [hbm4b:s19+s18], $0x80, $0x38;
	[tilespmem:$0x10200] =	vst v63  }
0x1f: {  	s19 =	spop @!p0 (v2sf)  }
0x20: {  	(v2sf) =	vpush @!p0 v0, $0x6;
	s19 =	sand.u32 @!p0 $0x1FFFFFF0, s19  }
0x21: {  	s20 =	sadd.s32 @!p0 $0x300, s17;
	s19 =	sadd.s32 @!p0 s3, s19  }
0x22: {  	[tilespmem:s20], [sflag:$0x3] =	stream.linear.gather @!p0 [hbm4b:s19+s18], $0x80, $0x38;
	[tilespmem:$0x10200] =	vst v63  }
0x23: {  	s19 =	spop @!p0 (v2sf)  }
0x24: {  	(v2sf) =	vpush @!p0 v0, $0x7;
	s19 =	sand.u32 @!p0 $0x1FFFFFF0, s19  }
0x25: {  	s20 =	sadd.s32 @!p0 $0x380, s17;
	s19 =	sadd.s32 @!p0 s3, s19  }
0x26: {  	[tilespmem:s20], [sflag:$0x4] =	stream.linear.gather @!p0 [hbm4b:s19+s18], $0x80, $0x38;
	[tilespmem:$0x10200] =	vst v63  }
0x27: {  	s19 =	spop @!p0 (v2sf)  }
0x28: {  	(v2sf) =	vpush @!p0 v0, $0x8;
	s19 =	sand.u32 @!p0 $0x1FFFFFF0, s19  }
0x29: {  	s20 =	sadd.s32 @!p0 $0x400, s17;
	s19 =	sadd.s32 @!p0 s3, s19  }
0x2a: {  	[tilespmem:s20], [sflag:$0x1] =	stream.linear.gather @!p0 [hbm4b:s19+s18], $0x80, $0x38;
	[tilespmem:$0x10200] =	vst v63  }
0x2b: {  	s19 =	spop @!p0 (v2sf)  }
0x2c: {  	(v2sf) =	vpush @!p0 v0, $0x9;
	s19 =	sand.u32 @!p0 $0x1FFFFFF0, s19  }
0x2d: {  	s20 =	sadd.s32 @!p0 $0x480, s17;
	s19 =	sadd.s32 @!p0 s3, s19  }
0x2e: {  	[tilespmem:s20], [sflag:$0x2] =	stream.linear.gather @!p0 [hbm4b:s19+s18], $0x80, $0x38;
	[tilespmem:$0x10200] =	vst v63  }
0x2f: {  	s19 =	spop @!p0 (v2sf)  }
0x30: {  	(v2sf) =	vpush @!p0 v0, $0xA;
	s19 =	sand.u32 @!p0 $0x1FFFFFF0, s19  }
0x31: {  	s20 =	sadd.s32 @!p0 $0x500, s17;
	s19 =	sadd.s32 @!p0 s3, s19  }
0x32: {  	[tilespmem:s20], [sflag:$0x3] =	stream.linear.gather @!p0 [hbm4b:s19+s18], $0x80, $0x38;
	[tilespmem:$0x10200] =	vst v63  }
0x33: {  	s19 =	spop @!p0 (v2sf)  }
0x34: {  	(v2sf) =	vpush @!p0 v0, $0xB;
	s19 =	sand.u32 @!p0 $0x1FFFFFF0, s19  }
0x35: {  	s20 =	sadd.s32 @!p0 $0x580, s17;
	s19 =	sadd.s32 @!p0 s3, s19  }
0x36: {  	[tilespmem:s20], [sflag:$0x4] =	stream.linear.gather @!p0 [hbm4b:s19+s18], $0x80, $0x38;
	[tilespmem:$0x10200] =	vst v63  }
0x37: {  	s19 =	spop @!p0 (v2sf)  }
0x38: {  	(v2sf) =	vpush @!p0 v0, $0xC;
	s19 =	sand.u32 @!p0 $0x1FFFFFF0, s19  }
0x39: {  	s20 =	sadd.s32 @!p0 $0x600, s17;
	s19 =	sadd.s32 @!p0 s3, s19  }
0x3a: {  	[tilespmem:s20], [sflag:$0x1] =	stream.linear.gather @!p0 [hbm4b:s19+s18], $0x80, $0x38;
	[tilespmem:$0x10200] =	vst v63  }
0x3b: {  	s19 =	spop @!p0 (v2sf)  }
0x3c: {  	(v2sf) =	vpush @!p0 v0, $0xD;
	s19 =	sand.u32 @!p0 $0x1FFFFFF0, s19  }
0x3d: {  	s20 =	sadd.s32 @!p0 $0x680, s17;
	s19 =	sadd.s32 @!p0 s3, s19  }
0x3e: {  	[tilespmem:s20], [sflag:$0x2] =	stream.linear.gather @!p0 [hbm4b:s19+s18], $0x80, $0x38;
	[tilespmem:$0x10200] =	vst v63  }
0x3f: {  	s19 =	spop @!p0 (v2sf)  }
0x40: {  	(v2sf) =	vpush @!p0 v0, $0xE;
	s19 =	sand.u32 @!p0 $0x1FFFFFF0, s19  }
0x41: {  	s20 =	sadd.s32 @!p0 $0x700, s17;
	s19 =	sadd.s32 @!p0 s3, s19  }
0x42: {  	[tilespmem:s20], [sflag:$0x3] =	stream.linear.gather @!p0 [hbm4b:s19+s18], $0x80, $0x38;
	[tilespmem:$0x10200] =	vst v63  }
0x43: {  	s19 =	spop @!p0 (v2sf)  }
0x44: {  	(v2sf) =	vpush @!p0 v0, $0xF;
	s19 =	sand.u32 @!p0 $0x1FFFFFF0, s19  }
0x45: {  	s20 =	sadd.s32 @!p0 $0x780, s17;
	s19 =	sadd.s32 @!p0 s3, s19  }
0x46: {  	[tilespmem:s20], [sflag:$0x4] =	stream.linear.gather @!p0 [hbm4b:s19+s18], $0x80, $0x38;
	[tilespmem:$0x10200] =	vst v63  }
0x47: {  	s19 =	spop @!p0 (v2sf)  }
0x48: {  	s19 =	sand.u32 @!p0 $0x1FFFFFF0, s19  }
0x49: {  	s20 =	sadd.s32 @!p0 $0x800, s17;
	s19 =	sadd.s32 @!p0 s3, s19  }
0x4a: {  	[tilespmem:s20], [sflag:$0x1] =	stream.linear.gather @!p0 [hbm4b:s19+s18], $0x80, $0x38;
	[tilespmem:$0x10200] =	vst v63  }
0x4b: {  	s19 =	spop @!p0 (v2sf)  }
0x4c: {  	s19 =	sand.u32 @!p0 $0x1FFFFFF0, s19  }
0x4d: {  	s20 =	sadd.s32 @!p0 $0x880, s17;
	s19 =	sadd.s32 @!p0 s3, s19  }
0x4e: {  	[tilespmem:s20], [sflag:$0x2] =	stream.linear.gather @!p0 [hbm4b:s19+s18], $0x80, $0x38;
	[tilespmem:$0x10200] =	vst v63  }
0x4f: {  	s19 =	spop @!p0 (v2sf)  }
0x50: {  	s19 =	sand.u32 @!p0 $0x1FFFFFF0, s19  }
0x51: {  	s20 =	sadd.s32 @!p0 $0x900, s17;
	s19 =	sadd.s32 @!p0 s3, s19  }
0x52: {  	[tilespmem:s20], [sflag:$0x3] =	stream.linear.gather @!p0 [hbm4b:s19+s18], $0x80, $0x38;
	[tilespmem:$0x10200] =	vst v63  }
0x53: {  	s19 =	spop @!p0 (v2sf)  }
0x54: {  	s19 =	sand.u32 @!p0 $0x1FFFFFF0, s19  }
0x55: {  	p1 =	slt.u32 @!p0 s16, $0x4;
	s17 =	sadd.s32 @!p0 $0x980, s17;
	s19 =	sadd.s32 @!p0 s3, s19  }
0x56: {  	[tilespmem:s17], [sflag:$0x4] =	stream.linear.gather @!p0 [hbm4b:s19+s18], $0x80, $0x38;
	[tilespmem:$0x10200] =	vst v63  }
0x57: {  	p0 =	por p0, !p1  }
0x58: {  	_ =	swait.ge @p0 [sflag:s8], $0x80  }
0x59: {  	[sflag:s8] =	ssyncset.done @p0 $0x0  }
0x5a: {  	[sflag:s8] =	ssyncadd.s32 @p0 $0xFFFFFF80  }
0x5b: {  	_ =	swait.ge @p0 [sflag:s9], $0x80  }
0x5c: {  	[sflag:s9] =	ssyncset.done @p0 $0x0  }
0x5d: {  	[sflag:s9] =	ssyncadd.s32 @p0 $0xFFFFFF80  }
0x5e: {  	_ =	swait.ge @p0 [sflag:s10], $0x80  }
0x5f: {  	[sflag:s10] =	ssyncset.done @p0 $0x0  }
0x60: {  	[sflag:s10] =	ssyncadd.s32 @p0 $0xFFFFFF80  }
0x61: {  	_ =	swait.ge @p0 [sflag:s11], $0x80  }
0x62: {  	[sflag:s11] =	ssyncset.done @p0 $0x0  }
0x63: {  	[sflag:s11] =	ssyncadd.s32 @p0 $0xFFFFFF80  }
0x64: {  	_ =	swait.ge @p0 [sflag:s8], $0x80  }
0x65: {  	[sflag:s8] =	ssyncset.done @p0 $0x0  }
0x66: {  	[sflag:s8] =	ssyncadd.s32 @p0 $0xFFFFFF80  }
0x67: {  	_ =	swait.ge @p0 [sflag:s9], $0x80  }
0x68: {  	[sflag:s9] =	ssyncset.done @p0 $0x0  }
0x69: {  	[sflag:s9] =	ssyncadd.s32 @p0 $0xFFFFFF80  }
0x6a: {  	_ =	swait.ge @p0 [sflag:s10], $0x80  }
0x6b: {  	[sflag:s10] =	ssyncset.done @p0 $0x0  }
0x6c: {  	[sflag:s10] =	ssyncadd.s32 @p0 $0xFFFFFF80  }
0x6d: {  	_ =	swait.ge @p0 [sflag:s11], $0x80  }
0x6e: {  	[sflag:s11] =	ssyncset.done @p0 $0x0  }
0x6f: {  	[sflag:s11] =	ssyncadd.s32 @p0 $0xFFFFFF80  }
0x70: {  	_ =	swait.ge @p0 [sflag:s8], $0x80  }
0x71: {  	[sflag:s8] =	ssyncset.done @p0 $0x0  }
0x72: {  	[sflag:s8] =	ssyncadd.s32 @p0 $0xFFFFFF80  }
0x73: {  	_ =	swait.ge @p0 [sflag:s9], $0x80  }
0x74: {  	[sflag:s9] =	ssyncset.done @p0 $0x0  }
0x75: {  	[sflag:s9] =	ssyncadd.s32 @p0 $0xFFFFFF80  }
0x76: {  	_ =	swait.ge @p0 [sflag:s10], $0x80  }
0x77: {  	[sflag:s10] =	ssyncset.done @p0 $0x0  }
0x78: {  	[sflag:s10] =	ssyncadd.s32 @p0 $0xFFFFFF80  }
0x79: {  	_ =	swait.ge @p0 [sflag:s11], $0x80  }
0x7a: {  	[sflag:s11] =	ssyncset.done @p0 $0x0  }
0x7b: {  	[sflag:s11] =	ssyncadd.s32 @p0 $0xFFFFFF80  }
0x7c: {  	_ =	swait.ge @p0 [sflag:s8], $0x80  }
0x7d: {  	[sflag:s8] =	ssyncset.done @p0 $0x0  }
0x7e: {  	[sflag:s8] =	ssyncadd.s32 @p0 $0xFFFFFF80  }
0x7f: {  	_ =	swait.ge @p0 [sflag:s9], $0x80  }
0x80: {  	[sflag:s9] =	ssyncset.done @p0 $0x0  }
0x81: {  	[sflag:s9] =	ssyncadd.s32 @p0 $0xFFFFFF80  }
0x82: {  	_ =	swait.ge @p0 [sflag:s10], $0x80  }
0x83: {  	[sflag:s10] =	ssyncset.done @p0 $0x0  }
0x84: {  	[sflag:s10] =	ssyncadd.s32 @p0 $0xFFFFFF80  }
0x85: {  	_ =	swait.ge @p0 [sflag:s11], $0x80  }
0x86: {  	s14 =	sadd.s32 $0x2000, s14;
	[sflag:s11] =	ssyncset.done @p0 $0x0  }
0x87: {  	[sflag:s11] =	ssyncadd.s32 @p0 $0xFFFFFF80;
	p0 =	sne.s32 s14, $0x48000  }
.Ltmp0:
0x88: {  	_ = 	snop;
	(pc) =	sbr.rel @p0 .LBB2_2-.Ltmp0, $2  }
0x89: {  	_ =	sdelay $0x2  }
0x8a: {  	s16 =	sadd.s32 $0x1, s16;
	s15 =	sadd.s32 $0x10, s15  }
0x8b: {  	s13 =	sadd.s32 $0x1, s13  }
0x8c: {  	p0 =	sne.s32 s13, s6  }
.Ltmp1:
0x8d: {  	_ = 	snop;
	(pc) =	sbr.rel @p0 .LBB2_1-.Ltmp1, $4  }
0x8e: {  	[hbm4b:s5+s2] =	stream.linear.scatter [tilespmem:s12], [sflag:$0x5], $0x10000, $0x38;
	[tilespmem:$0x10200] =	vst v63  }
0x8f: {  	_ =	swait.ge [sflag:s7], $0x10000  }
0x90: {  	[sflag:s7] =	ssyncset.done $0x0  }
0x91: {  	[sflag:s7] =	ssyncadd.s32 $0xFFFF0000  }
0x92: {  	_ =	sfence.sel $0x180000  }
0x93: {  	[bflag:$0x0] =	sbarrier.arrive $0xFFFF  }
0x94: {  	p0 =	sne.s32 s1, $0x0;
	_ =	strace $0x90000047  }
0x95: {  	s0 =	sadd.s32 @!p0 $0x100000, s0;
	[bflag:$0x2] =	sbarrier.arrive $0xFFFF  }
0x96: {  	[sflag:s0] =	ssyncadd.tile.s32 @!p0 $0x1;
	_ =	shalt  }
.Lfunc_end2:
_tile_overlayer_lowered:
.L_overlay_start_2:
0x97: {  	(tag) =	ssettag $0x2  }
0x98: {  	s0 =	rddreg [dreg:$0x0];
	s2 =	stileid.u32  }
0x99: {  	s1 =	rddreg [dreg:$0x1];
	p0 =	sne.s32 s2, $0x0  }
0x9a: {  	s3 =	rddreg [dreg:$0x2];
	[bflag:$0x3] =	sbarrier.arrive $0xFFFF;
	s2 =	simm.s32 @!p0 $0x1C05  }
0x9b: {  	[timem:s3], [sflag:s2] =	dma.local @!p0 [hbm:s0], s1  }
0x9c: {  	s0 =	simm.s32 @!p0 $0x5  }
0x9d: {  	_ =	swait.ge @!p0 [sflag:s0], s1  }
0x9e: {  	s1 =	ssub.s32 @!p0 $0x0, s1;
	[sflag:s0] =	ssyncset.done @!p0 $0x0  }
0x9f: {  	[sflag:s0] =	ssyncadd.s32 @!p0 s1  }
0xa0: {  	[bflag:$0x3] =	sbarrier.arrive $0xFFFF  }
0xa1: {  	_ =	shalt  }

</sc_bundles>
